<compile_context>
chip_gen: v7x
topology: tpu7x:2x2x1
jax: 0.10.2.dev20260603
libtpu: 0.0.44.dev20260713+nightly
codegen_flags: <defaults>
</compile_context>

<pallas_src>
import functools

import jax
import jax.numpy as jnp
from jax import lax
from jax.experimental import pallas as pl
from jax.experimental.pallas import tpu as pltpu
from jax.experimental.pallas import tpu_sc as plsc

T = 2048
D = 768
E = 8
K = 2
FF = 768

SLOT_B = 256
NTILES = (T * K) // SLOT_B + E
NSLOTS = NTILES * SLOT_B

HW = D // 2


def _pack_bf16_halves(x16):
    lo = lax.bitcast_convert_type(x16[..., :HW], jnp.uint16).astype(jnp.uint32)
    hi = lax.bitcast_convert_type(x16[..., HW:], jnp.uint16).astype(jnp.uint32)
    return lo | (hi << 16)


def _unpack_bf16_halves(w):
    lo = lax.bitcast_convert_type((w & 0xFFFF).astype(jnp.uint16),
                                  jnp.bfloat16)
    hi = lax.bitcast_convert_type((w >> 16).astype(jnp.uint16), jnp.bfloat16)
    return jnp.concatenate([lo, hi], axis=-1)


SC_NC = 2
SC_NS = 16
NW = SC_NC * SC_NS
TPW = T // NW


def _router_body(x_ref, gamma_ref, beta_ref, wr_ref, h_ref, slot0_ref,
                 slot1_ref, g0_ref, g1_ref, te_ref, tv_ref, st_ref):
    xb = x_ref[...]
    mu = jnp.mean(xb, axis=-1, keepdims=True)
    var = jnp.mean((xb - mu) ** 2, axis=-1, keepdims=True)
    h = (xb - mu) * lax.rsqrt(var + 1e-6) * gamma_ref[...][None, :] \
        + beta_ref[...][None, :]
    h_ref[...] = _pack_bf16_halves(h.astype(jnp.bfloat16))

    logits = jnp.dot(h, wr_ref[...], preferred_element_type=jnp.float32)
    p = jax.nn.softmax(logits, axis=-1)
    m1 = jnp.max(p, axis=-1, keepdims=True)
    pm = jnp.where(p >= m1, -jnp.inf, p)
    m2 = jnp.max(pm, axis=-1, keepdims=True)
    oh0 = (p >= m1).astype(jnp.float32)
    oh1 = jnp.logical_and(p >= m2, p < m1).astype(jnp.float32)
    den = m1 + m2 + 1e-9
    g0_ref[...] = m1 / den
    g1_ref[...] = m2 / den

    BLK = 256
    lr = lax.broadcasted_iota(jnp.int32, (BLK, BLK), 0)
    lc = lax.broadcasted_iota(jnp.int32, (BLK, BLK), 1)
    L = (lr > lc).astype(jnp.bfloat16)
    run0 = jnp.zeros((1, E), jnp.float32)
    run1 = jnp.zeros((1, E), jnp.float32)
    pos0_parts, pos1_parts = [], []
    for b in range(T // BLK):
        o0 = oh0[b * BLK:(b + 1) * BLK]
        o1 = oh1[b * BLK:(b + 1) * BLK]
        pos0_parts.append(
            jnp.dot(L, o0.astype(jnp.bfloat16),
                    preferred_element_type=jnp.float32) + run0)
        pos1_parts.append(
            jnp.dot(L, o1.astype(jnp.bfloat16),
                    preferred_element_type=jnp.float32) + run1)
        run0 = run0 + jnp.sum(o0, axis=0, keepdims=True)
        run1 = run1 + jnp.sum(o1, axis=0, keepdims=True)
    cnt0 = run0
    cnt1 = run1
    pos0 = jnp.concatenate(pos0_parts, axis=0)
    pos1 = jnp.concatenate(pos1_parts, axis=0) + cnt0
    c = cnt0 + cnt1

    ci = c.astype(jnp.int32)
    used = (ci + (SLOT_B - 1)) // SLOT_B
    er = lax.broadcasted_iota(jnp.int32, (E, E), 0)
    ec = lax.broadcasted_iota(jnp.int32, (E, E), 1)
    M8 = (er < ec).astype(jnp.float32)
    ts = jnp.dot(used.astype(jnp.float32), M8,
                 preferred_element_type=jnp.float32).astype(jnp.int32)
    off = (ts * SLOT_B).astype(jnp.float32)

    slot0 = jnp.sum(oh0 * (off + pos0), axis=-1, keepdims=True)
    slot1 = jnp.sum(oh1 * (off + pos1), axis=-1, keepdims=True)
    slot0_ref[...] = slot0.astype(jnp.int32)
    slot1_ref[...] = slot1.astype(jnp.int32)

    jr = lax.broadcasted_iota(jnp.int32, (NTILES, E), 0)
    endt = ts + used
    te = jnp.sum((jr >= endt).astype(jnp.int32), axis=1, keepdims=True)
    te = jnp.minimum(te, E - 1)
    teh = (lax.broadcasted_iota(jnp.int32, (NTILES, E), 1) == te
           ).astype(jnp.float32)
    c_sel = jnp.sum(teh * c, axis=1, keepdims=True).astype(jnp.int32)
    ts_sel = jnp.sum(teh * ts.astype(jnp.float32), axis=1,
                     keepdims=True).astype(jnp.int32)
    jcol = lax.broadcasted_iota(jnp.int32, (NTILES, 1), 0)
    tv = jnp.clip(c_sel - (jcol - ts_sel) * SLOT_B, 0, SLOT_B)
    te_ref[...] = te
    tv_ref[...] = tv
    ut = jnp.sum(used, axis=1, keepdims=True)
    st_ref[...] = jnp.minimum(jcol, ut - 1)


def _router_call(x, gamma, beta, W_router):
    return pl.pallas_call(
        _router_body,
        out_shape=[
            jax.ShapeDtypeStruct((T, HW), jnp.uint32),
            jax.ShapeDtypeStruct((T, 1), jnp.int32),
            jax.ShapeDtypeStruct((T, 1), jnp.int32),
            jax.ShapeDtypeStruct((T, 1), jnp.float32),
            jax.ShapeDtypeStruct((T, 1), jnp.float32),
            jax.ShapeDtypeStruct((NTILES, 1), jnp.int32),
            jax.ShapeDtypeStruct((NTILES, 1), jnp.int32),
            jax.ShapeDtypeStruct((NTILES, 1), jnp.int32),
        ],
    )(x, gamma, beta, W_router)


def _ffn_body(te_ref, tv_ref, st_ref, hg_ref, w1_ref, b1_ref, w2_ref,
              b2_ref, eo_ref):
    i = pl.program_id(0)
    nv = tv_ref[i]

    @pl.when(nv > 0)
    def _():
        hgf = _unpack_bf16_halves(hg_ref[...]).astype(jnp.float32)
        hid = jax.nn.gelu(
            jnp.dot(hgf, w1_ref[0],
                    preferred_element_type=jnp.float32) + b1_ref[0])
        eo = jnp.dot(hid, w2_ref[0],
                     preferred_element_type=jnp.float32) + b2_ref[0]
        eo_ref[...] = _pack_bf16_halves(eo.astype(jnp.bfloat16))


def _ffn_call(te, tv, st, hg, W1, b1r, W2, b2r):
    grid_spec = pltpu.PrefetchScalarGridSpec(
        num_scalar_prefetch=3,
        grid=(NTILES,),
        in_specs=[
            pl.BlockSpec((SLOT_B, HW), lambda i, te, tv, st: (st[i], 0)),
            pl.BlockSpec((1, D, FF), lambda i, te, tv, st: (te[i], 0, 0)),
            pl.BlockSpec((1, 1, FF), lambda i, te, tv, st: (te[i], 0, 0)),
            pl.BlockSpec((1, FF, D), lambda i, te, tv, st: (te[i], 0, 0)),
            pl.BlockSpec((1, 1, D), lambda i, te, tv, st: (te[i], 0, 0)),
        ],
        out_specs=pl.BlockSpec((SLOT_B, HW), lambda i, te, tv, st:
                               (st[i], 0)),
    )
    return pl.pallas_call(
        _ffn_body,
        grid_spec=grid_spec,
        out_shape=jax.ShapeDtypeStruct((NSLOTS, HW), jnp.uint32),
    )(te, tv, st, hg, W1, b1r, W2, b2r)


_SC_KERNELS = []


def _build_sc_kernels():
    mesh = plsc.VectorSubcoreMesh(core_axis_name="c", subcore_axis_name="s",
                                  num_cores=SC_NC, num_subcores=SC_NS)

    @functools.partial(
        pl.kernel,
        out_type=jax.ShapeDtypeStruct((NSLOTS, HW), jnp.uint32),
        mesh=mesh,
        compiler_params=pltpu.CompilerParams(use_tc_tiling_on_sc=True),
        scratch_types=[
            pltpu.VMEM((TPW,), jnp.int32),
            pltpu.VMEM((TPW,), jnp.int32),
            pltpu.VMEM((TPW, HW), jnp.uint32),
            pltpu.SemaphoreType.DMA,
            pltpu.SemaphoreType.DMA,
        ],
    )
    def _scatter_h(h_hbm, slot0_hbm, slot1_hbm, hg_hbm, idx0_v, idx1_v,
                   rows_v, sem, sem2):
        wid = lax.axis_index("s") * SC_NC + lax.axis_index("c")
        base = wid * TPW
        pltpu.sync_copy(slot0_hbm.at[pl.ds(base, TPW)], idx0_v)
        pltpu.sync_copy(slot1_hbm.at[pl.ds(base, TPW)], idx1_v)
        pltpu.sync_copy(h_hbm.at[pl.ds(base, TPW)], rows_v)
        d0 = pltpu.async_copy(rows_v, hg_hbm.at[idx0_v], sem)
        d1 = pltpu.async_copy(rows_v, hg_hbm.at[idx1_v], sem2)
        d0.wait()
        d1.wait()

    @functools.partial(
        pl.kernel,
        out_type=[
            jax.ShapeDtypeStruct((T, HW), jnp.uint32),
            jax.ShapeDtypeStruct((T, HW), jnp.uint32),
        ],
        mesh=mesh,
        compiler_params=pltpu.CompilerParams(use_tc_tiling_on_sc=True),
        scratch_types=[
            pltpu.VMEM((TPW,), jnp.int32),
            pltpu.VMEM((TPW,), jnp.int32),
            pltpu.VMEM((TPW, HW), jnp.uint32),
            pltpu.VMEM((TPW, HW), jnp.uint32),
            pltpu.SemaphoreType.DMA,
            pltpu.SemaphoreType.DMA,
        ],
    )
    def _gather_eo(eo_hbm, slot0_hbm, slot1_hbm, r0_hbm, r1_hbm, idx0_v,
                   idx1_v, rows0_v, rows1_v, sem, sem2):
        wid = lax.axis_index("s") * SC_NC + lax.axis_index("c")
        base = wid * TPW
        pltpu.sync_copy(slot0_hbm.at[pl.ds(base, TPW)], idx0_v)
        pltpu.sync_copy(slot1_hbm.at[pl.ds(base, TPW)], idx1_v)
        d0 = pltpu.async_copy(eo_hbm.at[idx0_v], rows0_v, sem)
        d1 = pltpu.async_copy(eo_hbm.at[idx1_v], rows1_v, sem2)
        d0.wait()
        d1.wait()
        pltpu.sync_copy(rows0_v, r0_hbm.at[pl.ds(base, TPW)])
        pltpu.sync_copy(rows1_v, r1_hbm.at[pl.ds(base, TPW)])

    return _scatter_h, _gather_eo


def _combine_body(x_ref, g0_ref, g1_ref, r0_ref, r1_ref, y_ref):
    r0 = _unpack_bf16_halves(r0_ref[...]).astype(jnp.float32)
    r1 = _unpack_bf16_halves(r1_ref[...]).astype(jnp.float32)
    y_ref[...] = x_ref[...] + g0_ref[...] * r0 + g1_ref[...] * r1


_CTILE = 256


def _combine_call(x, g0c, g1c, r0, r1):
    return pl.pallas_call(
        _combine_body,
        grid=(T // _CTILE,),
        in_specs=[
            pl.BlockSpec((_CTILE, D), lambda i: (i, 0)),
            pl.BlockSpec((_CTILE, 1), lambda i: (i, 0)),
            pl.BlockSpec((_CTILE, 1), lambda i: (i, 0)),
            pl.BlockSpec((_CTILE, HW), lambda i: (i, 0)),
            pl.BlockSpec((_CTILE, HW), lambda i: (i, 0)),
        ],
        out_specs=pl.BlockSpec((_CTILE, D), lambda i: (i, 0)),
        out_shape=jax.ShapeDtypeStruct((T, D), jnp.float32),
    )(x, g0c, g1c, r0, r1)


def _sc_kernels():
    if not _SC_KERNELS:
        _SC_KERNELS.append(_build_sc_kernels())
    return _SC_KERNELS[0]


def kernel(x, gamma, beta, W_router, W1, b1, W2, b2):
    h, slot0c, slot1c, g0c, g1c, tec, tvc, stc = _router_call(
        x, gamma, beta, W_router)

    slot0 = slot0c.reshape(T)
    slot1 = slot1c.reshape(T)
    te = tec.reshape(NTILES)
    tv = tvc.reshape(NTILES)
    st = stc.reshape(NTILES)
    scatter_h, gather_eo = _sc_kernels()
    hg = scatter_h(h, slot0, slot1)
    eo = _ffn_call(te, tv, st, hg, W1, b1.reshape(E, 1, FF), W2,
                   b2.reshape(E, 1, D))
    r0, r1 = gather_eo(eo, slot0, slot1)
    y = _combine_call(x, g0c, g1c, r0, r1)
    return (y, jnp.float32(0.0))

# --- scband reference (transcript-rebuilt; emitter-appended) ---
"""Pipeline reference for scband-stage-encoder-9165460209779 (READ-ONLY COPY).

The authoritative reference and input builder live on the scoring server;
editing this copy changes nothing except your own understanding.
"""

import jax, jax.numpy as jnp
import numpy as np

T = 2048
D = 768
E = 8
K = 2
FF = 768


def setup_inputs(seed: int = 0) -> dict:
    key = jax.random.key(seed)
    ks = jax.random.split(key, 6)
    x = jax.random.normal(ks[0], (T, D), dtype=jnp.float32)
    gamma = jnp.ones((D,), dtype=jnp.float32)
    beta = jnp.zeros((D,), dtype=jnp.float32)
    W_router = jax.random.normal(ks[1], (D, E), dtype=jnp.float32) * (1.0 / np.sqrt(D))
    W1 = jax.random.normal(ks[2], (E, D, FF), dtype=jnp.float32) * (1.0 / np.sqrt(D))
    b1 = jnp.zeros((E, FF), dtype=jnp.float32)
    W2 = jax.random.normal(ks[3], (E, FF, D), dtype=jnp.float32) * (1.0 / np.sqrt(FF))
    b2 = jnp.zeros((E, D), dtype=jnp.float32)
    return {"x": x, "gamma": gamma, "beta": beta, "W_router": W_router,
            "W1": W1, "b1": b1, "W2": W2, "b2": b2}


def reference(x, gamma, beta, W_router, W1, b1, W2, b2):
    # StageEncoder -> MoMCodec -> MoMBlock(in_ch, num_experts, top_k, use_aux_loss=False)
    # Reconstructed as a standard pre-norm top-k MoE block with residual connection.
    # LayerNorm
    mu = jnp.mean(x, axis=-1, keepdims=True)
    var = jnp.var(x, axis=-1, keepdims=True)
    h = (x - mu) / jnp.sqrt(var + 1e-6) * gamma + beta
    # Router: softmax over experts, top-k gating (renormalized)
    logits = h @ W_router                      # [T, E]
    probs = jax.nn.softmax(logits, axis=-1)
    topv, topi = jax.lax.top_k(probs, K)       # [T, K]
    gates = jnp.zeros_like(probs).at[jnp.arange(T)[:, None], topi].set(topv)
    gates = gates / (jnp.sum(gates, axis=-1, keepdims=True) + 1e-9)  # [T, E]
    # Expert FFNs (dense formulation, masked by gates)
    hid = jax.nn.gelu(jnp.einsum('td,edf->tef', h, W1) + b1[None, :, :])  # [T, E, FF]
    eo = jnp.einsum('tef,efd->ted', hid, W2) + b2[None, :, :]             # [T, E, D]
    y = x + jnp.einsum('te,ted->td', gates, eo)                           # residual combine
    aux_loss = jnp.float32(0.0)  # use_aux_loss=False in MoMCodec
    return (y, aux_loss)

if __name__ == "__main__":
    import jax
    _d = setup_inputs()
    print(jax.jit(kernel)(*tuple(_d.values())))

</pallas_src>

<mosaic_0001>
#map = affine_map<(d0, d1) -> (0, 0)>
#map1 = affine_map<(d0, d1) -> (0)>
module attributes {stable_mosaic.version = 14 : i64} {
  func.func @_gather_eo(%arg0: i32, %arg1: i32, %arg2: memref<6144x384xi32, #tpu.memory_space<hbm>>, %arg3: memref<2048xi32, #tpu.memory_space<hbm>>, %arg4: memref<2048xi32, #tpu.memory_space<hbm>>, %arg5: memref<2048x384xi32, #tpu.memory_space<hbm>>, %arg6: memref<2048x384xi32, #tpu.memory_space<hbm>>, %arg7: memref<64xi32, #tpu.memory_space<vmem>>, %arg8: memref<64xi32, #tpu.memory_space<vmem>>, %arg9: memref<64x384xi32, #tpu.memory_space<vmem>>, %arg10: memref<64x384xi32, #tpu.memory_space<vmem>>, %arg11: memref<!tpu.dma_semaphore, #tpu.memory_space<semaphore_mem>>, %arg12: memref<!tpu.dma_semaphore, #tpu.memory_space<semaphore_mem>>) attributes {dimension_semantics = [#tpu.dimension_semantics<core_parallel>, #tpu.dimension_semantics<subcore_parallel>], iteration_bounds = array<i64: 2, 16>, scalar_prefetch = 0 : i64, scratch_operands = 6 : i64, tpu.core_type = #tpu.core_type<sc_vector_subcore>, window_params = [{transform_indices = #map}, {transform_indices = #map1}, {transform_indices = #map1}, {transform_indices = #map}, {transform_indices = #map}]} {
    %mul3A = arith.constant 2 : i32
    %mul3A_0 = arith.muli %arg1, %mul3A : i32
    %add3A = arith.addi %mul3A_0, %arg0 : i32
    %mul3A_1 = arith.constant 64 : i32
    %mul3A_2 = arith.muli %add3A, %mul3A_1 : i32
    "tpu.region"() ({
      %run_scoped3A = tpu.sem_alloc : memref<!tpu.dma_semaphore, #tpu.memory_space<semaphore_mem>>
      %dma_start3A_13 = tpu.memref_slice %arg3[%mul3A_2] : memref<2048xi32, #tpu.memory_space<hbm>> -> memref<64xi32, #tpu.memory_space<hbm>>
      %dma_start3A_14 = tpu.memref_slice %arg3[%mul3A_2] : memref<2048xi32, #tpu.memory_space<hbm>> -> memref<64xi32, #tpu.memory_space<hbm>>
      tpu.enqueue_dma source(%dma_start3A_14 : memref<64xi32, #tpu.memory_space<hbm>>) target(%arg7 : memref<64xi32, #tpu.memory_space<vmem>>) target_semaphore(%run_scoped3A : memref<!tpu.dma_semaphore, #tpu.memory_space<semaphore_mem>>)
      %dma_wait3A_15 = tpu.memref_slice %arg3[%mul3A_2] : memref<2048xi32, #tpu.memory_space<hbm>> -> memref<64xi32, #tpu.memory_space<hbm>>
      %dma_wait3A_16 = tpu.memref_slice %arg3[%mul3A_2] : memref<2048xi32, #tpu.memory_space<hbm>> -> memref<64xi32, #tpu.memory_space<hbm>>
      tpu.wait_dma2 semaphore(%run_scoped3A : memref<!tpu.dma_semaphore, #tpu.memory_space<semaphore_mem>>) src(%dma_wait3A_16 : memref<64xi32, #tpu.memory_space<hbm>>) dst(%arg7 : memref<64xi32, #tpu.memory_space<vmem>>)
      tpu.yield
    }) : () -> ()
    "tpu.region"() ({
      %run_scoped3A = tpu.sem_alloc : memref<!tpu.dma_semaphore, #tpu.memory_space<semaphore_mem>>
      %dma_start3A_13 = tpu.memref_slice %arg4[%mul3A_2] : memref<2048xi32, #tpu.memory_space<hbm>> -> memref<64xi32, #tpu.memory_space<hbm>>
      %dma_start3A_14 = tpu.memref_slice %arg4[%mul3A_2] : memref<2048xi32, #tpu.memory_space<hbm>> -> memref<64xi32, #tpu.memory_space<hbm>>
      tpu.enqueue_dma source(%dma_start3A_14 : memref<64xi32, #tpu.memory_space<hbm>>) target(%arg8 : memref<64xi32, #tpu.memory_space<vmem>>) target_semaphore(%run_scoped3A : memref<!tpu.dma_semaphore, #tpu.memory_space<semaphore_mem>>)
      %dma_wait3A_15 = tpu.memref_slice %arg4[%mul3A_2] : memref<2048xi32, #tpu.memory_space<hbm>> -> memref<64xi32, #tpu.memory_space<hbm>>
      %dma_wait3A_16 = tpu.memref_slice %arg4[%mul3A_2] : memref<2048xi32, #tpu.memory_space<hbm>> -> memref<64xi32, #tpu.memory_space<hbm>>
      tpu.wait_dma2 semaphore(%run_scoped3A : memref<!tpu.dma_semaphore, #tpu.memory_space<semaphore_mem>>) src(%dma_wait3A_16 : memref<64xi32, #tpu.memory_space<hbm>>) dst(%arg8 : memref<64xi32, #tpu.memory_space<vmem>>)
      tpu.yield
    }) : () -> ()
    %dma_start3A = arith.constant 0 : i32
    %dma_start3A_3 = arith.constant 0 : i32
    %dma_start3A_4 = tpu.memref_slice %arg2[%dma_start3A, %dma_start3A_3] : memref<6144x384xi32, #tpu.memory_space<hbm>> -> memref<6144x384xi32, #tpu.memory_space<hbm>>
    tpu.enqueue_indirect_dma source(%dma_start3A_4 : memref<6144x384xi32, #tpu.memory_space<hbm>>) target(%arg9 : memref<64x384xi32, #tpu.memory_space<vmem>>) offsets(%arg7 : memref<64xi32, #tpu.memory_space<vmem>>) semaphore(%arg11 : memref<!tpu.dma_semaphore, #tpu.memory_space<semaphore_mem>>)
    %dma_start3A_5 = arith.constant 0 : i32
    %dma_start3A_6 = arith.constant 0 : i32
    %dma_start3A_7 = tpu.memref_slice %arg2[%dma_start3A_5, %dma_start3A_6] : memref<6144x384xi32, #tpu.memory_space<hbm>> -> memref<6144x384xi32, #tpu.memory_space<hbm>>
    tpu.enqueue_indirect_dma source(%dma_start3A_7 : memref<6144x384xi32, #tpu.memory_space<hbm>>) target(%arg10 : memref<64x384xi32, #tpu.memory_space<vmem>>) offsets(%arg8 : memref<64xi32, #tpu.memory_space<vmem>>) semaphore(%arg12 : memref<!tpu.dma_semaphore, #tpu.memory_space<semaphore_mem>>)
    %dma_wait3A = arith.constant 0 : i32
    %dma_wait3A_8 = arith.constant 0 : i32
    %dma_wait3A_9 = tpu.memref_slice %arg2[%dma_wait3A, %dma_wait3A_8] : memref<6144x384xi32, #tpu.memory_space<hbm>> -> memref<6144x384xi32, #tpu.memory_space<hbm>>
    tpu.wait_indirect_dma semaphore(%arg11 : memref<!tpu.dma_semaphore, #tpu.memory_space<semaphore_mem>>) src(%dma_wait3A_9 : memref<6144x384xi32, #tpu.memory_space<hbm>>) dst(%arg9 : memref<64x384xi32, #tpu.memory_space<vmem>>)
    %dma_wait3A_10 = arith.constant 0 : i32
    %dma_wait3A_11 = arith.constant 0 : i32
    %dma_wait3A_12 = tpu.memref_slice %arg2[%dma_wait3A_10, %dma_wait3A_11] : memref<6144x384xi32, #tpu.memory_space<hbm>> -> memref<6144x384xi32, #tpu.memory_space<hbm>>
    tpu.wait_indirect_dma semaphore(%arg12 : memref<!tpu.dma_semaphore, #tpu.memory_space<semaphore_mem>>) src(%dma_wait3A_12 : memref<6144x384xi32, #tpu.memory_space<hbm>>) dst(%arg10 : memref<64x384xi32, #tpu.memory_space<vmem>>)
    "tpu.region"() ({
      %run_scoped3A = tpu.sem_alloc : memref<!tpu.dma_semaphore, #tpu.memory_space<semaphore_mem>>
      %dma_start3A_13 = arith.constant 0 : i32
      %dma_start3A_14 = tpu.memref_slice %arg5[%mul3A_2, %dma_start3A_13] : memref<2048x384xi32, #tpu.memory_space<hbm>> -> memref<64x384xi32, #tpu.memory_space<hbm>>
      %dma_start3A_15 = arith.constant 0 : i32
      %dma_start3A_16 = tpu.memref_slice %arg5[%mul3A_2, %dma_start3A_15] : memref<2048x384xi32, #tpu.memory_space<hbm>> -> memref<64x384xi32, #tpu.memory_space<hbm>>
      tpu.enqueue_dma source(%arg9 : memref<64x384xi32, #tpu.memory_space<vmem>>) target(%dma_start3A_16 : memref<64x384xi32, #tpu.memory_space<hbm>>) target_semaphore(%run_scoped3A : memref<!tpu.dma_semaphore, #tpu.memory_space<semaphore_mem>>)
      %dma_wait3A_17 = arith.constant 0 : i32
      %dma_wait3A_18 = tpu.memref_slice %arg5[%mul3A_2, %dma_wait3A_17] : memref<2048x384xi32, #tpu.memory_space<hbm>> -> memref<64x384xi32, #tpu.memory_space<hbm>>
      %dma_wait3A_19 = arith.constant 0 : i32
      %dma_wait3A_20 = tpu.memref_slice %arg5[%mul3A_2, %dma_wait3A_19] : memref<2048x384xi32, #tpu.memory_space<hbm>> -> memref<64x384xi32, #tpu.memory_space<hbm>>
      tpu.wait_dma2 semaphore(%run_scoped3A : memref<!tpu.dma_semaphore, #tpu.memory_space<semaphore_mem>>) src(%arg9 : memref<64x384xi32, #tpu.memory_space<vmem>>) dst(%dma_wait3A_20 : memref<64x384xi32, #tpu.memory_space<hbm>>)
      tpu.yield
    }) : () -> ()
    "tpu.region"() ({
      %run_scoped3A = tpu.sem_alloc : memref<!tpu.dma_semaphore, #tpu.memory_space<semaphore_mem>>
      %dma_start3A_13 = arith.constant 0 : i32
      %dma_start3A_14 = tpu.memref_slice %arg6[%mul3A_2, %dma_start3A_13] : memref<2048x384xi32, #tpu.memory_space<hbm>> -> memref<64x384xi32, #tpu.memory_space<hbm>>
      %dma_start3A_15 = arith.constant 0 : i32
      %dma_start3A_16 = tpu.memref_slice %arg6[%mul3A_2, %dma_start3A_15] : memref<2048x384xi32, #tpu.memory_space<hbm>> -> memref<64x384xi32, #tpu.memory_space<hbm>>
      tpu.enqueue_dma source(%arg10 : memref<64x384xi32, #tpu.memory_space<vmem>>) target(%dma_start3A_16 : memref<64x384xi32, #tpu.memory_space<hbm>>) target_semaphore(%run_scoped3A : memref<!tpu.dma_semaphore, #tpu.memory_space<semaphore_mem>>)
      %dma_wait3A_17 = arith.constant 0 : i32
      %dma_wait3A_18 = tpu.memref_slice %arg6[%mul3A_2, %dma_wait3A_17] : memref<2048x384xi32, #tpu.memory_space<hbm>> -> memref<64x384xi32, #tpu.memory_space<hbm>>
      %dma_wait3A_19 = arith.constant 0 : i32
      %dma_wait3A_20 = tpu.memref_slice %arg6[%mul3A_2, %dma_wait3A_19] : memref<2048x384xi32, #tpu.memory_space<hbm>> -> memref<64x384xi32, #tpu.memory_space<hbm>>
      tpu.wait_dma2 semaphore(%run_scoped3A : memref<!tpu.dma_semaphore, #tpu.memory_space<semaphore_mem>>) src(%arg10 : memref<64x384xi32, #tpu.memory_space<vmem>>) dst(%dma_wait3A_20 : memref<64x384xi32, #tpu.memory_space<hbm>>)
      tpu.yield
    }) : () -> ()
    return
  }
}

#map = affine_map<(d0, d1) -> (0, 0)>
#map1 = affine_map<(d0, d1) -> (0)>
module attributes {stable_mosaic.version = 14 : i64} {
  func.func @_scatter_h(%arg0: i32, %arg1: i32, %arg2: memref<2048x384xi32, #tpu.memory_space<hbm>>, %arg3: memref<2048xi32, #tpu.memory_space<hbm>>, %arg4: memref<2048xi32, #tpu.memory_space<hbm>>, %arg5: memref<6144x384xi32, #tpu.memory_space<hbm>>, %arg6: memref<64xi32, #tpu.memory_space<vmem>>, %arg7: memref<64xi32, #tpu.memory_space<vmem>>, %arg8: memref<64x384xi32, #tpu.memory_space<vmem>>, %arg9: memref<!tpu.dma_semaphore, #tpu.memory_space<semaphore_mem>>, %arg10: memref<!tpu.dma_semaphore, #tpu.memory_space<semaphore_mem>>) attributes {dimension_semantics = [#tpu.dimension_semantics<core_parallel>, #tpu.dimension_semantics<subcore_parallel>], iteration_bounds = array<i64: 2, 16>, scalar_prefetch = 0 : i64, scratch_operands = 5 : i64, tpu.core_type = #tpu.core_type<sc_vector_subcore>, window_params = [{transform_indices = #map}, {transform_indices = #map1}, {transform_indices = #map1}, {transform_indices = #map}]} {
    %mul3A = arith.constant 2 : i32
    %mul3A_0 = arith.muli %arg1, %mul3A : i32
    %add3A = arith.addi %mul3A_0, %arg0 : i32
    %mul3A_1 = arith.constant 64 : i32
    %mul3A_2 = arith.muli %add3A, %mul3A_1 : i32
    "tpu.region"() ({
      %run_scoped3A = tpu.sem_alloc : memref<!tpu.dma_semaphore, #tpu.memory_space<semaphore_mem>>
      %dma_start3A_13 = tpu.memref_slice %arg3[%mul3A_2] : memref<2048xi32, #tpu.memory_space<hbm>> -> memref<64xi32, #tpu.memory_space<hbm>>
      %dma_start3A_14 = tpu.memref_slice %arg3[%mul3A_2] : memref<2048xi32, #tpu.memory_space<hbm>> -> memref<64xi32, #tpu.memory_space<hbm>>
      tpu.enqueue_dma source(%dma_start3A_14 : memref<64xi32, #tpu.memory_space<hbm>>) target(%arg6 : memref<64xi32, #tpu.memory_space<vmem>>) target_semaphore(%run_scoped3A : memref<!tpu.dma_semaphore, #tpu.memory_space<semaphore_mem>>)
      %dma_wait3A_15 = tpu.memref_slice %arg3[%mul3A_2] : memref<2048xi32, #tpu.memory_space<hbm>> -> memref<64xi32, #tpu.memory_space<hbm>>
      %dma_wait3A_16 = tpu.memref_slice %arg3[%mul3A_2] : memref<2048xi32, #tpu.memory_space<hbm>> -> memref<64xi32, #tpu.memory_space<hbm>>
      tpu.wait_dma2 semaphore(%run_scoped3A : memref<!tpu.dma_semaphore, #tpu.memory_space<semaphore_mem>>) src(%dma_wait3A_16 : memref<64xi32, #tpu.memory_space<hbm>>) dst(%arg6 : memref<64xi32, #tpu.memory_space<vmem>>)
      tpu.yield
    }) : () -> ()
    "tpu.region"() ({
      %run_scoped3A = tpu.sem_alloc : memref<!tpu.dma_semaphore, #tpu.memory_space<semaphore_mem>>
      %dma_start3A_13 = tpu.memref_slice %arg4[%mul3A_2] : memref<2048xi32, #tpu.memory_space<hbm>> -> memref<64xi32, #tpu.memory_space<hbm>>
      %dma_start3A_14 = tpu.memref_slice %arg4[%mul3A_2] : memref<2048xi32, #tpu.memory_space<hbm>> -> memref<64xi32, #tpu.memory_space<hbm>>
      tpu.enqueue_dma source(%dma_start3A_14 : memref<64xi32, #tpu.memory_space<hbm>>) target(%arg7 : memref<64xi32, #tpu.memory_space<vmem>>) target_semaphore(%run_scoped3A : memref<!tpu.dma_semaphore, #tpu.memory_space<semaphore_mem>>)
      %dma_wait3A_15 = tpu.memref_slice %arg4[%mul3A_2] : memref<2048xi32, #tpu.memory_space<hbm>> -> memref<64xi32, #tpu.memory_space<hbm>>
      %dma_wait3A_16 = tpu.memref_slice %arg4[%mul3A_2] : memref<2048xi32, #tpu.memory_space<hbm>> -> memref<64xi32, #tpu.memory_space<hbm>>
      tpu.wait_dma2 semaphore(%run_scoped3A : memref<!tpu.dma_semaphore, #tpu.memory_space<semaphore_mem>>) src(%dma_wait3A_16 : memref<64xi32, #tpu.memory_space<hbm>>) dst(%arg7 : memref<64xi32, #tpu.memory_space<vmem>>)
      tpu.yield
    }) : () -> ()
    "tpu.region"() ({
      %run_scoped3A = tpu.sem_alloc : memref<!tpu.dma_semaphore, #tpu.memory_space<semaphore_mem>>
      %dma_start3A_13 = arith.constant 0 : i32
      %dma_start3A_14 = tpu.memref_slice %arg2[%mul3A_2, %dma_start3A_13] : memref<2048x384xi32, #tpu.memory_space<hbm>> -> memref<64x384xi32, #tpu.memory_space<hbm>>
      %dma_start3A_15 = arith.constant 0 : i32
      %dma_start3A_16 = tpu.memref_slice %arg2[%mul3A_2, %dma_start3A_15] : memref<2048x384xi32, #tpu.memory_space<hbm>> -> memref<64x384xi32, #tpu.memory_space<hbm>>
      tpu.enqueue_dma source(%dma_start3A_16 : memref<64x384xi32, #tpu.memory_space<hbm>>) target(%arg8 : memref<64x384xi32, #tpu.memory_space<vmem>>) target_semaphore(%run_scoped3A : memref<!tpu.dma_semaphore, #tpu.memory_space<semaphore_mem>>)
      %dma_wait3A_17 = arith.constant 0 : i32
      %dma_wait3A_18 = tpu.memref_slice %arg2[%mul3A_2, %dma_wait3A_17] : memref<2048x384xi32, #tpu.memory_space<hbm>> -> memref<64x384xi32, #tpu.memory_space<hbm>>
      %dma_wait3A_19 = arith.constant 0 : i32
      %dma_wait3A_20 = tpu.memref_slice %arg2[%mul3A_2, %dma_wait3A_19] : memref<2048x384xi32, #tpu.memory_space<hbm>> -> memref<64x384xi32, #tpu.memory_space<hbm>>
      tpu.wait_dma2 semaphore(%run_scoped3A : memref<!tpu.dma_semaphore, #tpu.memory_space<semaphore_mem>>) src(%dma_wait3A_20 : memref<64x384xi32, #tpu.memory_space<hbm>>) dst(%arg8 : memref<64x384xi32, #tpu.memory_space<vmem>>)
      tpu.yield
    }) : () -> ()
    %dma_start3A = arith.constant 0 : i32
    %dma_start3A_3 = arith.constant 0 : i32
    %dma_start3A_4 = tpu.memref_slice %arg5[%dma_start3A, %dma_start3A_3] : memref<6144x384xi32, #tpu.memory_space<hbm>> -> memref<6144x384xi32, #tpu.memory_space<hbm>>
    tpu.enqueue_indirect_dma source(%arg8 : memref<64x384xi32, #tpu.memory_space<vmem>>) target(%dma_start3A_4 : memref<6144x384xi32, #tpu.memory_space<hbm>>) offsets(%arg6 : memref<64xi32, #tpu.memory_space<vmem>>) semaphore(%arg9 : memref<!tpu.dma_semaphore, #tpu.memory_space<semaphore_mem>>)
    %dma_start3A_5 = arith.constant 0 : i32
    %dma_start3A_6 = arith.constant 0 : i32
    %dma_start3A_7 = tpu.memref_slice %arg5[%dma_start3A_5, %dma_start3A_6] : memref<6144x384xi32, #tpu.memory_space<hbm>> -> memref<6144x384xi32, #tpu.memory_space<hbm>>
    tpu.enqueue_indirect_dma source(%arg8 : memref<64x384xi32, #tpu.memory_space<vmem>>) target(%dma_start3A_7 : memref<6144x384xi32, #tpu.memory_space<hbm>>) offsets(%arg7 : memref<64xi32, #tpu.memory_space<vmem>>) semaphore(%arg10 : memref<!tpu.dma_semaphore, #tpu.memory_space<semaphore_mem>>)
    %dma_wait3A = arith.constant 0 : i32
    %dma_wait3A_8 = arith.constant 0 : i32
    %dma_wait3A_9 = tpu.memref_slice %arg5[%dma_wait3A, %dma_wait3A_8] : memref<6144x384xi32, #tpu.memory_space<hbm>> -> memref<6144x384xi32, #tpu.memory_space<hbm>>
    tpu.wait_indirect_dma semaphore(%arg9 : memref<!tpu.dma_semaphore, #tpu.memory_space<semaphore_mem>>) src(%arg8 : memref<64x384xi32, #tpu.memory_space<vmem>>) dst(%dma_wait3A_9 : memref<6144x384xi32, #tpu.memory_space<hbm>>)
    %dma_wait3A_10 = arith.constant 0 : i32
    %dma_wait3A_11 = arith.constant 0 : i32
    %dma_wait3A_12 = tpu.memref_slice %arg5[%dma_wait3A_10, %dma_wait3A_11] : memref<6144x384xi32, #tpu.memory_space<hbm>> -> memref<6144x384xi32, #tpu.memory_space<hbm>>
    tpu.wait_indirect_dma semaphore(%arg10 : memref<!tpu.dma_semaphore, #tpu.memory_space<semaphore_mem>>) src(%arg8 : memref<64x384xi32, #tpu.memory_space<vmem>>) dst(%dma_wait3A_12 : memref<6144x384xi32, #tpu.memory_space<hbm>>)
    return
  }
}

module attributes {stable_mosaic.version = 14 : i64} {
  func.func @_combine_body(%arg0: i32, %arg1: memref<256x768xf32, #tpu.memory_space<vmem>>, %arg2: memref<256x1xf32, #tpu.memory_space<vmem>>, %arg3: memref<256x1xf32, #tpu.memory_space<vmem>>, %arg4: memref<256x384xi32, #tpu.memory_space<vmem>>, %arg5: memref<256x384xi32, #tpu.memory_space<vmem>>, %arg6: memref<256x768xf32, #tpu.memory_space<vmem>>) attributes {dimension_semantics = [#tpu.dimension_semantics<arbitrary>], iteration_bounds = array<i64: 8>, scalar_prefetch = 0 : i64, scratch_operands = 0 : i64, tpu.core_type = #tpu.core_type<tc>, window_params = [{transform_indices = @transform_0, window_bounds = array<i64: 256, 768>}, {transform_indices = @transform_1, window_bounds = array<i64: 256, 1>}, {transform_indices = @transform_2, window_bounds = array<i64: 256, 1>}, {transform_indices = @transform_3, window_bounds = array<i64: 256, 384>}, {transform_indices = @transform_4, window_bounds = array<i64: 256, 384>}, {transform_indices = @transform_5, window_bounds = array<i64: 256, 768>}]} {
    %get3A = arith.constant 0 : index
    %get3A_0 = arith.constant 0 : index
    %get3A_1 = vector.load %arg4[%get3A, %get3A_0] : memref<256x384xi32, #tpu.memory_space<vmem>>, vector<256x384xi32>
    %and3A = arith.constant 65535 : i32
    %and3A_2 = vector.broadcast %and3A : i32 to vector<256x384xi32>
    %and3A_3 = arith.andi %get3A_1, %and3A_2 : vector<256x384xi32>
    %convert_element_type3A = arith.trunci %and3A_3 : vector<256x384xi32> to vector<256x384xi16>
    %bitcast_convert_type3A = tpu.bitcast %convert_element_type3A : vector<256x384xi16> -> vector<256x384xbf16>
    %shift_right_logical3A = arith.constant 16 : i32
    %shift_right_logical3A_4 = vector.broadcast %shift_right_logical3A : i32 to vector<256x384xi32>
    %shift_right_logical3A_5 = arith.shrui %get3A_1, %shift_right_logical3A_4 : vector<256x384xi32>
    %convert_element_type3A_6 = arith.trunci %shift_right_logical3A_5 : vector<256x384xi32> to vector<256x384xi16>
    %bitcast_convert_type3A_7 = tpu.bitcast %convert_element_type3A_6 : vector<256x384xi16> -> vector<256x384xbf16>
    %concatenate3A = tpu.concatenate %bitcast_convert_type3A, %bitcast_convert_type3A_7 in 1 : vector<256x384xbf16>, vector<256x384xbf16> -> vector<256x768xbf16>
    %convert_element_type3A_8 = arith.extf %concatenate3A : vector<256x768xbf16> to vector<256x768xf32>
    %get3A_9 = arith.constant 0 : index
    %get3A_10 = arith.constant 0 : index
    %get3A_11 = vector.load %arg5[%get3A_9, %get3A_10] : memref<256x384xi32, #tpu.memory_space<vmem>>, vector<256x384xi32>
    %and3A_12 = arith.constant 65535 : i32
    %and3A_13 = vector.broadcast %and3A_12 : i32 to vector<256x384xi32>
    %and3A_14 = arith.andi %get3A_11, %and3A_13 : vector<256x384xi32>
    %convert_element_type3A_15 = arith.trunci %and3A_14 : vector<256x384xi32> to vector<256x384xi16>
    %bitcast_convert_type3A_16 = tpu.bitcast %convert_element_type3A_15 : vector<256x384xi16> -> vector<256x384xbf16>
    %shift_right_logical3A_17 = arith.constant 16 : i32
    %shift_right_logical3A_18 = vector.broadcast %shift_right_logical3A_17 : i32 to vector<256x384xi32>
    %shift_right_logical3A_19 = arith.shrui %get3A_11, %shift_right_logical3A_18 : vector<256x384xi32>
    %convert_element_type3A_20 = arith.trunci %shift_right_logical3A_19 : vector<256x384xi32> to vector<256x384xi16>
    %bitcast_convert_type3A_21 = tpu.bitcast %convert_element_type3A_20 : vector<256x384xi16> -> vector<256x384xbf16>
    %concatenate3A_22 = tpu.concatenate %bitcast_convert_type3A_16, %bitcast_convert_type3A_21 in 1 : vector<256x384xbf16>, vector<256x384xbf16> -> vector<256x768xbf16>
    %convert_element_type3A_23 = arith.extf %concatenate3A_22 : vector<256x768xbf16> to vector<256x768xf32>
    %get3A_24 = arith.constant 0 : index
    %get3A_25 = arith.constant 0 : index
    %get3A_26 = vector.load %arg1[%get3A_24, %get3A_25] : memref<256x768xf32, #tpu.memory_space<vmem>>, vector<256x768xf32>
    %get3A_27 = arith.constant 0 : index
    %get3A_28 = arith.constant 0 : index
    %get3A_29 = vector.load %arg2[%get3A_27, %get3A_28] : memref<256x1xf32, #tpu.memory_space<vmem>>, vector<256x1xf32>
    %mul3A = vector.broadcast %get3A_29 : vector<256x1xf32> to vector<256x768xf32>
    %mul3A_30 = arith.mulf %mul3A, %convert_element_type3A_8 : vector<256x768xf32>
    %add3A = arith.addf %get3A_26, %mul3A_30 : vector<256x768xf32>
    %get3A_31 = arith.constant 0 : index
    %get3A_32 = arith.constant 0 : index
    %get3A_33 = vector.load %arg3[%get3A_31, %get3A_32] : memref<256x1xf32, #tpu.memory_space<vmem>>, vector<256x1xf32>
    %mul3A_34 = vector.broadcast %get3A_33 : vector<256x1xf32> to vector<256x768xf32>
    %mul3A_35 = arith.mulf %mul3A_34, %convert_element_type3A_23 : vector<256x768xf32>
    %add3A_36 = arith.addf %add3A, %mul3A_35 : vector<256x768xf32>
    %swap3A = arith.constant 0 : index
    %swap3A_37 = arith.constant 0 : index
    %swap3A_38 = vector.load %arg6[%swap3A, %swap3A_37] : memref<256x768xf32, #tpu.memory_space<vmem>>, vector<256x768xf32>
    tpu.vector_store %arg6[%swap3A, %swap3A_37], %add3A_36 {strides = array<i32>} : memref<256x768xf32, #tpu.memory_space<vmem>>, vector<256x768xf32>,
    return
  }
  func.func @transform_0(%arg0: i32) -> (i32, i32) {
    %c0_i32 = arith.constant 0 : i32
    %c0_i32_0 = arith.constant 0 : i32
    return %arg0, %c0_i32 : i32, i32
  }
  func.func @transform_1(%arg0: i32) -> (i32, i32) {
    %c0_i32 = arith.constant 0 : i32
    %c0_i32_0 = arith.constant 0 : i32
    return %arg0, %c0_i32 : i32, i32
  }
  func.func @transform_2(%arg0: i32) -> (i32, i32) {
    %c0_i32 = arith.constant 0 : i32
    %c0_i32_0 = arith.constant 0 : i32
    return %arg0, %c0_i32 : i32, i32
  }
  func.func @transform_3(%arg0: i32) -> (i32, i32) {
    %c0_i32 = arith.constant 0 : i32
    %c0_i32_0 = arith.constant 0 : i32
    return %arg0, %c0_i32 : i32, i32
  }
  func.func @transform_4(%arg0: i32) -> (i32, i32) {
    %c0_i32 = arith.constant 0 : i32
    %c0_i32_0 = arith.constant 0 : i32
    return %arg0, %c0_i32 : i32, i32
  }
  func.func @transform_5(%arg0: i32) -> (i32, i32) {
    %c0_i32 = arith.constant 0 : i32
    %c0_i32_0 = arith.constant 0 : i32
    return %arg0, %c0_i32 : i32, i32
  }
}

module attributes {stable_mosaic.version = 14 : i64} {
  func.func @_router_body(%arg0: memref<2048x768xf32, #tpu.memory_space<vmem>>, %arg1: memref<768xf32, #tpu.memory_space<vmem>>, %arg2: memref<768xf32, #tpu.memory_space<vmem>>, %arg3: memref<768x8xf32, #tpu.memory_space<vmem>>, %arg4: memref<2048x384xi32, #tpu.memory_space<vmem>>, %arg5: memref<2048x1xi32, #tpu.memory_space<vmem>>, %arg6: memref<2048x1xi32, #tpu.memory_space<vmem>>, %arg7: memref<2048x1xf32, #tpu.memory_space<vmem>>, %arg8: memref<2048x1xf32, #tpu.memory_space<vmem>>, %arg9: memref<24x1xi32, #tpu.memory_space<vmem>>, %arg10: memref<24x1xi32, #tpu.memory_space<vmem>>, %arg11: memref<24x1xi32, #tpu.memory_space<vmem>>) attributes {dimension_semantics = [], scalar_prefetch = 0 : i64, scratch_operands = 0 : i64, tpu.core_type = #tpu.core_type<tc>} {
    %get3A = arith.constant 0 : index
    %get3A_0 = arith.constant 0 : index
    %get3A_1 = vector.load %arg0[%get3A, %get3A_0] : memref<2048x768xf32, #tpu.memory_space<vmem>>, vector<2048x768xf32>
    %reduce_sum3A = arith.constant dense<0.000000e+00> : vector<2048xf32>
    %reduce_sum3A_2 = vector.multi_reduction <add>, %get3A_1, %reduce_sum3A [1] : vector<2048x768xf32> to vector<2048xf32>
    %broadcast_in_dim3A = vector.shape_cast %reduce_sum3A_2 : vector<2048xf32> to vector<2048x1xf32>
    %div3A = arith.constant 7.680000e+02 : f32
    %div3A_3 = vector.broadcast %div3A : f32 to vector<2048x1xf32>
    %div3A_4 = arith.divf %broadcast_in_dim3A, %div3A_3 : vector<2048x1xf32>
    %sub3A = vector.broadcast %div3A_4 : vector<2048x1xf32> to vector<2048x768xf32>
    %sub3A_5 = arith.subf %get3A_1, %sub3A : vector<2048x768xf32>
    %integer_pow3A = arith.mulf %sub3A_5, %sub3A_5 : vector<2048x768xf32>
    %reduce_sum3A_6 = arith.constant dense<0.000000e+00> : vector<2048xf32>
    %reduce_sum3A_7 = vector.multi_reduction <add>, %integer_pow3A, %reduce_sum3A_6 [1] : vector<2048x768xf32> to vector<2048xf32>
    %broadcast_in_dim3A_8 = vector.shape_cast %reduce_sum3A_7 : vector<2048xf32> to vector<2048x1xf32>
    %div3A_9 = arith.constant 7.680000e+02 : f32
    %div3A_10 = vector.broadcast %div3A_9 : f32 to vector<2048x1xf32>
    %div3A_11 = arith.divf %broadcast_in_dim3A_8, %div3A_10 : vector<2048x1xf32>
    %sub3A_12 = vector.broadcast %div3A_4 : vector<2048x1xf32> to vector<2048x768xf32>
    %sub3A_13 = arith.subf %get3A_1, %sub3A_12 : vector<2048x768xf32>
    %add3A = arith.constant 9.99999997E-7 : f32
    %add3A_14 = vector.broadcast %add3A : f32 to vector<2048x1xf32>
    %add3A_15 = arith.addf %div3A_11, %add3A_14 : vector<2048x1xf32>
    %rsqrt3A = math.rsqrt %add3A_15 : vector<2048x1xf32>
    %mul3A = vector.broadcast %rsqrt3A : vector<2048x1xf32> to vector<2048x768xf32>
    %mul3A_16 = arith.mulf %sub3A_13, %mul3A : vector<2048x768xf32>
    %get3A_17 = arith.constant 0 : index
    %get3A_18 = vector.load %arg1[%get3A_17] : memref<768xf32, #tpu.memory_space<vmem>>, vector<768xf32>
    %broadcast_in_dim3A_19 = vector.shape_cast %get3A_18 : vector<768xf32> to vector<1x768xf32>
    %mul3A_20 = vector.broadcast %broadcast_in_dim3A_19 : vector<1x768xf32> to vector<2048x768xf32>
    %mul3A_21 = arith.mulf %mul3A_16, %mul3A_20 : vector<2048x768xf32>
    %get3A_22 = arith.constant 0 : index
    %get3A_23 = vector.load %arg2[%get3A_22] : memref<768xf32, #tpu.memory_space<vmem>>, vector<768xf32>
    %broadcast_in_dim3A_24 = vector.shape_cast %get3A_23 : vector<768xf32> to vector<1x768xf32>
    %add3A_25 = vector.broadcast %broadcast_in_dim3A_24 : vector<1x768xf32> to vector<2048x768xf32>
    %add3A_26 = arith.addf %mul3A_21, %add3A_25 : vector<2048x768xf32>
    %convert_element_type3A = arith.truncf %add3A_26 : vector<2048x768xf32> to vector<2048x768xbf16>
    %slice3A = vector.extract_strided_slice %convert_element_type3A {offsets = [0, 0], sizes = [2048, 384], strides = [1, 1]} : vector<2048x768xbf16> to vector<2048x384xbf16>
    %bitcast_convert_type3A = tpu.bitcast %slice3A : vector<2048x384xbf16> -> vector<2048x384xi16>
    %convert_element_type3A_27 = arith.extui %bitcast_convert_type3A : vector<2048x384xi16> to vector<2048x384xi32>
    %slice3A_28 = vector.extract_strided_slice %convert_element_type3A {offsets = [0, 384], sizes = [2048, 384], strides = [1, 1]} : vector<2048x768xbf16> to vector<2048x384xbf16>
    %bitcast_convert_type3A_29 = tpu.bitcast %slice3A_28 : vector<2048x384xbf16> -> vector<2048x384xi16>
    %convert_element_type3A_30 = arith.extui %bitcast_convert_type3A_29 : vector<2048x384xi16> to vector<2048x384xi32>
    %shift_left3A = arith.constant 16 : i32
    %shift_left3A_31 = vector.broadcast %shift_left3A : i32 to vector<2048x384xi32>
    %shift_left3A_32 = arith.shli %convert_element_type3A_30, %shift_left3A_31 : vector<2048x384xi32>
    %or3A = arith.ori %convert_element_type3A_27, %shift_left3A_32 : vector<2048x384xi32>
    %swap3A = arith.constant 0 : index
    %swap3A_33 = arith.constant 0 : index
    %swap3A_34 = vector.load %arg4[%swap3A, %swap3A_33] : memref<2048x384xi32, #tpu.memory_space<vmem>>, vector<2048x384xi32>
    tpu.vector_store %arg4[%swap3A, %swap3A_33], %or3A {strides = array<i32>} : memref<2048x384xi32, #tpu.memory_space<vmem>>, vector<2048x384xi32>,
    %get3A_35 = arith.constant 0 : index
    %get3A_36 = arith.constant 0 : index
    %get3A_37 = vector.load %arg3[%get3A_35, %get3A_36] : memref<768x8xf32, #tpu.memory_space<vmem>>, vector<768x8xf32>
    %dot_general3A = arith.constant dense<0.000000e+00> : vector<2048x8xf32>
    %dot_general3A_38 = tpu.matmul %add3A_26, %get3A_37, %dot_general3A {dimension_numbers = #tpu.dot_dimension_numbers<[1], [0], [0], [1], [0, 0, 1, 1], [], []>, transpose_lhs_hint = false} : vector<2048x768xf32>, vector<768x8xf32>, vector<2048x8xf32> -> vector<2048x8xf32>
    %reduce_max3A = arith.constant dense<0xFF800000> : vector<2048xf32>
    %reduce_max3A_39 = vector.multi_reduction <maximumf>, %dot_general3A_38, %reduce_max3A [1] : vector<2048x8xf32> to vector<2048xf32>
    %max3A = arith.constant 0xFF800000 : f32
    %max3A_40 = vector.broadcast %max3A : f32 to vector<2048xf32>
    %max3A_41 = arith.maximumf %max3A_40, %reduce_max3A_39 : vector<2048xf32>
    %broadcast_in_dim3A_42 = vector.shape_cast %max3A_41 : vector<2048xf32> to vector<2048x1xf32>
    %sub3A_43 = vector.broadcast %broadcast_in_dim3A_42 : vector<2048x1xf32> to vector<2048x8xf32>
    %sub3A_44 = arith.subf %dot_general3A_38, %sub3A_43 : vector<2048x8xf32>
    %exp3A = math.exp %sub3A_44 : vector<2048x8xf32>
    %reduce_sum3A_45 = arith.constant dense<0.000000e+00> : vector<2048xf32>
    %reduce_sum3A_46 = vector.multi_reduction <add>, %exp3A, %reduce_sum3A_45 [1] : vector<2048x8xf32> to vector<2048xf32>
    %broadcast_in_dim3A_47 = vector.shape_cast %reduce_sum3A_46 : vector<2048xf32> to vector<2048x1xf32>
    %div3A_48 = vector.broadcast %broadcast_in_dim3A_47 : vector<2048x1xf32> to vector<2048x8xf32>
    %div3A_49 = arith.divf %exp3A, %div3A_48 : vector<2048x8xf32>
    %reduce_max3A_50 = arith.constant dense<0xFF800000> : vector<2048xf32>
    %reduce_max3A_51 = vector.multi_reduction <maximumf>, %div3A_49, %reduce_max3A_50 [1] : vector<2048x8xf32> to vector<2048xf32>
    %broadcast_in_dim3A_52 = vector.shape_cast %reduce_max3A_51 : vector<2048xf32> to vector<2048x1xf32>
    %ge3A = vector.broadcast %broadcast_in_dim3A_52 : vector<2048x1xf32> to vector<2048x8xf32>
    %ge3A_53 = arith.cmpf oge, %div3A_49, %ge3A : vector<2048x8xf32>
    %jit3A = arith.constant 0xFF800000 : f32
    %broadcast_in_dim3A_54 = vector.broadcast %jit3A : f32 to vector<2048x8xf32>
    %select_n3A = arith.select %ge3A_53, %broadcast_in_dim3A_54, %div3A_49 : vector<2048x8xi1>, vector<2048x8xf32>
    %reduce_max3A_55 = arith.constant dense<0xFF800000> : vector<2048xf32>
    %reduce_max3A_56 = vector.multi_reduction <maximumf>, %select_n3A, %reduce_max3A_55 [1] : vector<2048x8xf32> to vector<2048xf32>
    %broadcast_in_dim3A_57 = vector.shape_cast %reduce_max3A_56 : vector<2048xf32> to vector<2048x1xf32>
    %ge3A_58 = vector.broadcast %broadcast_in_dim3A_52 : vector<2048x1xf32> to vector<2048x8xf32>
    %ge3A_59 = arith.cmpf oge, %div3A_49, %ge3A_58 : vector<2048x8xf32>
    %convert_element_type3A_60 = arith.extui %ge3A_59 : vector<2048x8xi1> to vector<2048x8xi32>
    %convert_element_type3A_61 = arith.sitofp %convert_element_type3A_60 : vector<2048x8xi32> to vector<2048x8xf32>
    %ge3A_62 = vector.broadcast %broadcast_in_dim3A_57 : vector<2048x1xf32> to vector<2048x8xf32>
    %ge3A_63 = arith.cmpf oge, %div3A_49, %ge3A_62 : vector<2048x8xf32>
    %lt3A = vector.broadcast %broadcast_in_dim3A_52 : vector<2048x1xf32> to vector<2048x8xf32>
    %lt3A_64 = arith.cmpf olt, %div3A_49, %lt3A : vector<2048x8xf32>
    %and3A = arith.andi %ge3A_63, %lt3A_64 : vector<2048x8xi1>
    %convert_element_type3A_65 = arith.extui %and3A : vector<2048x8xi1> to vector<2048x8xi32>
    %convert_element_type3A_66 = arith.sitofp %convert_element_type3A_65 : vector<2048x8xi32> to vector<2048x8xf32>
    %add3A_67 = arith.addf %broadcast_in_dim3A_52, %broadcast_in_dim3A_57 : vector<2048x1xf32>
    %add3A_68 = arith.constant 9.99999971E-10 : f32
    %add3A_69 = vector.broadcast %add3A_68 : f32 to vector<2048x1xf32>
    %add3A_70 = arith.addf %add3A_67, %add3A_69 : vector<2048x1xf32>
    %div3A_71 = arith.divf %broadcast_in_dim3A_52, %add3A_70 : vector<2048x1xf32>
    %swap3A_72 = arith.constant 0 : index
    %swap3A_73 = arith.constant 0 : index
    %swap3A_74 = vector.load %arg7[%swap3A_72, %swap3A_73] : memref<2048x1xf32, #tpu.memory_space<vmem>>, vector<2048x1xf32>
    tpu.vector_store %arg7[%swap3A_72, %swap3A_73], %div3A_71 {strides = array<i32>} : memref<2048x1xf32, #tpu.memory_space<vmem>>, vector<2048x1xf32>,
    %div3A_75 = arith.divf %broadcast_in_dim3A_57, %add3A_70 : vector<2048x1xf32>
    %swap3A_76 = arith.constant 0 : index
    %swap3A_77 = arith.constant 0 : index
    %swap3A_78 = vector.load %arg8[%swap3A_76, %swap3A_77] : memref<2048x1xf32, #tpu.memory_space<vmem>>, vector<2048x1xf32>
    tpu.vector_store %arg8[%swap3A_76, %swap3A_77], %div3A_75 {strides = array<i32>} : memref<2048x1xf32, #tpu.memory_space<vmem>>, vector<2048x1xf32>,
    %iota3A = tpu.iota {dimensions = array<i32: 0>} : vector<256x256xi32>
    %iota3A_79 = tpu.iota {dimensions = array<i32: 1>} : vector<256x256xi32>
    %gt3A = arith.cmpi sgt, %iota3A, %iota3A_79 : vector<256x256xi32>
    %convert_element_type3A_80 = arith.extui %gt3A : vector<256x256xi1> to vector<256x256xi32>
    %convert_element_type3A_81 = arith.sitofp %convert_element_type3A_80 : vector<256x256xi32> to vector<256x256xf32>
    %convert_element_type3A_82 = arith.truncf %convert_element_type3A_81 : vector<256x256xf32> to vector<256x256xbf16>
    %broadcast_in_dim3A_83 = arith.constant 0.000000e+00 : f32
    %broadcast_in_dim3A_84 = vector.broadcast %broadcast_in_dim3A_83 : f32 to vector<1x8xf32>
    %broadcast_in_dim3A_85 = arith.constant 0.000000e+00 : f32
    %broadcast_in_dim3A_86 = vector.broadcast %broadcast_in_dim3A_85 : f32 to vector<1x8xf32>
    %slice3A_87 = vector.extract_strided_slice %convert_element_type3A_61 {offsets = [0, 0], sizes = [256, 8], strides = [1, 1]} : vector<2048x8xf32> to vector<256x8xf32>
    %slice3A_88 = vector.extract_strided_slice %convert_element_type3A_66 {offsets = [0, 0], sizes = [256, 8], strides = [1, 1]} : vector<2048x8xf32> to vector<256x8xf32>
    %convert_element_type3A_89 = arith.truncf %slice3A_87 : vector<256x8xf32> to vector<256x8xbf16>
    %dot_general3A_90 = arith.constant dense<0.000000e+00> : vector<256x8xf32>
    %dot_general3A_91 = tpu.matmul %convert_element_type3A_82, %convert_element_type3A_89, %dot_general3A_90 {dimension_numbers = #tpu.dot_dimension_numbers<[1], [0], [0], [1], [0, 0, 1, 1], [], []>, transpose_lhs_hint = false} : vector<256x256xbf16>, vector<256x8xbf16>, vector<256x8xf32> -> vector<256x8xf32>
    %add3A_92 = vector.broadcast %broadcast_in_dim3A_84 : vector<1x8xf32> to vector<256x8xf32>
    %add3A_93 = arith.addf %dot_general3A_91, %add3A_92 : vector<256x8xf32>
    %convert_element_type3A_94 = arith.truncf %slice3A_88 : vector<256x8xf32> to vector<256x8xbf16>
    %dot_general3A_95 = arith.constant dense<0.000000e+00> : vector<256x8xf32>
    %dot_general3A_96 = tpu.matmul %convert_element_type3A_82, %convert_element_type3A_94, %dot_general3A_95 {dimension_numbers = #tpu.dot_dimension_numbers<[1], [0], [0], [1], [0, 0, 1, 1], [], []>, transpose_lhs_hint = false} : vector<256x256xbf16>, vector<256x8xbf16>, vector<256x8xf32> -> vector<256x8xf32>
    %add3A_97 = vector.broadcast %broadcast_in_dim3A_86 : vector<1x8xf32> to vector<256x8xf32>
    %add3A_98 = arith.addf %dot_general3A_96, %add3A_97 : vector<256x8xf32>
    %reduce_sum3A_99 = arith.constant dense<0.000000e+00> : vector<8xf32>
    %reduce_sum3A_100 = vector.multi_reduction <add>, %slice3A_87, %reduce_sum3A_99 [0] : vector<256x8xf32> to vector<8xf32>
    %broadcast_in_dim3A_101 = vector.shape_cast %reduce_sum3A_100 : vector<8xf32> to vector<1x8xf32>
    %add3A_102 = arith.addf %broadcast_in_dim3A_84, %broadcast_in_dim3A_101 : vector<1x8xf32>
    %reduce_sum3A_103 = arith.constant dense<0.000000e+00> : vector<8xf32>
    %reduce_sum3A_104 = vector.multi_reduction <add>, %slice3A_88, %reduce_sum3A_103 [0] : vector<256x8xf32> to vector<8xf32>
    %broadcast_in_dim3A_105 = vector.shape_cast %reduce_sum3A_104 : vector<8xf32> to vector<1x8xf32>
    %add3A_106 = arith.addf %broadcast_in_dim3A_86, %broadcast_in_dim3A_105 : vector<1x8xf32>
    %slice3A_107 = vector.extract_strided_slice %convert_element_type3A_61 {offsets = [256, 0], sizes = [256, 8], strides = [1, 1]} : vector<2048x8xf32> to vector<256x8xf32>
    %slice3A_108 = vector.extract_strided_slice %convert_element_type3A_66 {offsets = [256, 0], sizes = [256, 8], strides = [1, 1]} : vector<2048x8xf32> to vector<256x8xf32>
    %convert_element_type3A_109 = arith.truncf %slice3A_107 : vector<256x8xf32> to vector<256x8xbf16>
    %dot_general3A_110 = arith.constant dense<0.000000e+00> : vector<256x8xf32>
    %dot_general3A_111 = tpu.matmul %convert_element_type3A_82, %convert_element_type3A_109, %dot_general3A_110 {dimension_numbers = #tpu.dot_dimension_numbers<[1], [0], [0], [1], [0, 0, 1, 1], [], []>, transpose_lhs_hint = false} : vector<256x256xbf16>, vector<256x8xbf16>, vector<256x8xf32> -> vector<256x8xf32>
    %add3A_112 = vector.broadcast %add3A_102 : vector<1x8xf32> to vector<256x8xf32>
    %add3A_113 = arith.addf %dot_general3A_111, %add3A_112 : vector<256x8xf32>
    %convert_element_type3A_114 = arith.truncf %slice3A_108 : vector<256x8xf32> to vector<256x8xbf16>
    %dot_general3A_115 = arith.constant dense<0.000000e+00> : vector<256x8xf32>
    %dot_general3A_116 = tpu.matmul %convert_element_type3A_82, %convert_element_type3A_114, %dot_general3A_115 {dimension_numbers = #tpu.dot_dimension_numbers<[1], [0], [0], [1], [0, 0, 1, 1], [], []>, transpose_lhs_hint = false} : vector<256x256xbf16>, vector<256x8xbf16>, vector<256x8xf32> -> vector<256x8xf32>
    %add3A_117 = vector.broadcast %add3A_106 : vector<1x8xf32> to vector<256x8xf32>
    %add3A_118 = arith.addf %dot_general3A_116, %add3A_117 : vector<256x8xf32>
    %reduce_sum3A_119 = arith.constant dense<0.000000e+00> : vector<8xf32>
    %reduce_sum3A_120 = vector.multi_reduction <add>, %slice3A_107, %reduce_sum3A_119 [0] : vector<256x8xf32> to vector<8xf32>
    %broadcast_in_dim3A_121 = vector.shape_cast %reduce_sum3A_120 : vector<8xf32> to vector<1x8xf32>
    %add3A_122 = arith.addf %add3A_102, %broadcast_in_dim3A_121 : vector<1x8xf32>
    %reduce_sum3A_123 = arith.constant dense<0.000000e+00> : vector<8xf32>
    %reduce_sum3A_124 = vector.multi_reduction <add>, %slice3A_108, %reduce_sum3A_123 [0] : vector<256x8xf32> to vector<8xf32>
    %broadcast_in_dim3A_125 = vector.shape_cast %reduce_sum3A_124 : vector<8xf32> to vector<1x8xf32>
    %add3A_126 = arith.addf %add3A_106, %broadcast_in_dim3A_125 : vector<1x8xf32>
    %slice3A_127 = vector.extract_strided_slice %convert_element_type3A_61 {offsets = [512, 0], sizes = [256, 8], strides = [1, 1]} : vector<2048x8xf32> to vector<256x8xf32>
    %slice3A_128 = vector.extract_strided_slice %convert_element_type3A_66 {offsets = [512, 0], sizes = [256, 8], strides = [1, 1]} : vector<2048x8xf32> to vector<256x8xf32>
    %convert_element_type3A_129 = arith.truncf %slice3A_127 : vector<256x8xf32> to vector<256x8xbf16>
    %dot_general3A_130 = arith.constant dense<0.000000e+00> : vector<256x8xf32>
    %dot_general3A_131 = tpu.matmul %convert_element_type3A_82, %convert_element_type3A_129, %dot_general3A_130 {dimension_numbers = #tpu.dot_dimension_numbers<[1], [0], [0], [1], [0, 0, 1, 1], [], []>, transpose_lhs_hint = false} : vector<256x256xbf16>, vector<256x8xbf16>, vector<256x8xf32> -> vector<256x8xf32>
    %add3A_132 = vector.broadcast %add3A_122 : vector<1x8xf32> to vector<256x8xf32>
    %add3A_133 = arith.addf %dot_general3A_131, %add3A_132 : vector<256x8xf32>
    %convert_element_type3A_134 = arith.truncf %slice3A_128 : vector<256x8xf32> to vector<256x8xbf16>
    %dot_general3A_135 = arith.constant dense<0.000000e+00> : vector<256x8xf32>
    %dot_general3A_136 = tpu.matmul %convert_element_type3A_82, %convert_element_type3A_134, %dot_general3A_135 {dimension_numbers = #tpu.dot_dimension_numbers<[1], [0], [0], [1], [0, 0, 1, 1], [], []>, transpose_lhs_hint = false} : vector<256x256xbf16>, vector<256x8xbf16>, vector<256x8xf32> -> vector<256x8xf32>
    %add3A_137 = vector.broadcast %add3A_126 : vector<1x8xf32> to vector<256x8xf32>
    %add3A_138 = arith.addf %dot_general3A_136, %add3A_137 : vector<256x8xf32>
    %reduce_sum3A_139 = arith.constant dense<0.000000e+00> : vector<8xf32>
    %reduce_sum3A_140 = vector.multi_reduction <add>, %slice3A_127, %reduce_sum3A_139 [0] : vector<256x8xf32> to vector<8xf32>
    %broadcast_in_dim3A_141 = vector.shape_cast %reduce_sum3A_140 : vector<8xf32> to vector<1x8xf32>
    %add3A_142 = arith.addf %add3A_122, %broadcast_in_dim3A_141 : vector<1x8xf32>
    %reduce_sum3A_143 = arith.constant dense<0.000000e+00> : vector<8xf32>
    %reduce_sum3A_144 = vector.multi_reduction <add>, %slice3A_128, %reduce_sum3A_143 [0] : vector<256x8xf32> to vector<8xf32>
    %broadcast_in_dim3A_145 = vector.shape_cast %reduce_sum3A_144 : vector<8xf32> to vector<1x8xf32>
    %add3A_146 = arith.addf %add3A_126, %broadcast_in_dim3A_145 : vector<1x8xf32>
    %slice3A_147 = vector.extract_strided_slice %convert_element_type3A_61 {offsets = [768, 0], sizes = [256, 8], strides = [1, 1]} : vector<2048x8xf32> to vector<256x8xf32>
    %slice3A_148 = vector.extract_strided_slice %convert_element_type3A_66 {offsets = [768, 0], sizes = [256, 8], strides = [1, 1]} : vector<2048x8xf32> to vector<256x8xf32>
    %convert_element_type3A_149 = arith.truncf %slice3A_147 : vector<256x8xf32> to vector<256x8xbf16>
    %dot_general3A_150 = arith.constant dense<0.000000e+00> : vector<256x8xf32>
    %dot_general3A_151 = tpu.matmul %convert_element_type3A_82, %convert_element_type3A_149, %dot_general3A_150 {dimension_numbers = #tpu.dot_dimension_numbers<[1], [0], [0], [1], [0, 0, 1, 1], [], []>, transpose_lhs_hint = false} : vector<256x256xbf16>, vector<256x8xbf16>, vector<256x8xf32> -> vector<256x8xf32>
    %add3A_152 = vector.broadcast %add3A_142 : vector<1x8xf32> to vector<256x8xf32>
    %add3A_153 = arith.addf %dot_general3A_151, %add3A_152 : vector<256x8xf32>
    %convert_element_type3A_154 = arith.truncf %slice3A_148 : vector<256x8xf32> to vector<256x8xbf16>
    %dot_general3A_155 = arith.constant dense<0.000000e+00> : vector<256x8xf32>
    %dot_general3A_156 = tpu.matmul %convert_element_type3A_82, %convert_element_type3A_154, %dot_general3A_155 {dimension_numbers = #tpu.dot_dimension_numbers<[1], [0], [0], [1], [0, 0, 1, 1], [], []>, transpose_lhs_hint = false} : vector<256x256xbf16>, vector<256x8xbf16>, vector<256x8xf32> -> vector<256x8xf32>
    %add3A_157 = vector.broadcast %add3A_146 : vector<1x8xf32> to vector<256x8xf32>
    %add3A_158 = arith.addf %dot_general3A_156, %add3A_157 : vector<256x8xf32>
    %reduce_sum3A_159 = arith.constant dense<0.000000e+00> : vector<8xf32>
    %reduce_sum3A_160 = vector.multi_reduction <add>, %slice3A_147, %reduce_sum3A_159 [0] : vector<256x8xf32> to vector<8xf32>
    %broadcast_in_dim3A_161 = vector.shape_cast %reduce_sum3A_160 : vector<8xf32> to vector<1x8xf32>
    %add3A_162 = arith.addf %add3A_142, %broadcast_in_dim3A_161 : vector<1x8xf32>
    %reduce_sum3A_163 = arith.constant dense<0.000000e+00> : vector<8xf32>
    %reduce_sum3A_164 = vector.multi_reduction <add>, %slice3A_148, %reduce_sum3A_163 [0] : vector<256x8xf32> to vector<8xf32>
    %broadcast_in_dim3A_165 = vector.shape_cast %reduce_sum3A_164 : vector<8xf32> to vector<1x8xf32>
    %add3A_166 = arith.addf %add3A_146, %broadcast_in_dim3A_165 : vector<1x8xf32>
    %slice3A_167 = vector.extract_strided_slice %convert_element_type3A_61 {offsets = [1024, 0], sizes = [256, 8], strides = [1, 1]} : vector<2048x8xf32> to vector<256x8xf32>
    %slice3A_168 = vector.extract_strided_slice %convert_element_type3A_66 {offsets = [1024, 0], sizes = [256, 8], strides = [1, 1]} : vector<2048x8xf32> to vector<256x8xf32>
    %convert_element_type3A_169 = arith.truncf %slice3A_167 : vector<256x8xf32> to vector<256x8xbf16>
    %dot_general3A_170 = arith.constant dense<0.000000e+00> : vector<256x8xf32>
    %dot_general3A_171 = tpu.matmul %convert_element_type3A_82, %convert_element_type3A_169, %dot_general3A_170 {dimension_numbers = #tpu.dot_dimension_numbers<[1], [0], [0], [1], [0, 0, 1, 1], [], []>, transpose_lhs_hint = false} : vector<256x256xbf16>, vector<256x8xbf16>, vector<256x8xf32> -> vector<256x8xf32>
    %add3A_172 = vector.broadcast %add3A_162 : vector<1x8xf32> to vector<256x8xf32>
    %add3A_173 = arith.addf %dot_general3A_171, %add3A_172 : vector<256x8xf32>
    %convert_element_type3A_174 = arith.truncf %slice3A_168 : vector<256x8xf32> to vector<256x8xbf16>
    %dot_general3A_175 = arith.constant dense<0.000000e+00> : vector<256x8xf32>
    %dot_general3A_176 = tpu.matmul %convert_element_type3A_82, %convert_element_type3A_174, %dot_general3A_175 {dimension_numbers = #tpu.dot_dimension_numbers<[1], [0], [0], [1], [0, 0, 1, 1], [], []>, transpose_lhs_hint = false} : vector<256x256xbf16>, vector<256x8xbf16>, vector<256x8xf32> -> vector<256x8xf32>
    %add3A_177 = vector.broadcast %add3A_166 : vector<1x8xf32> to vector<256x8xf32>
    %add3A_178 = arith.addf %dot_general3A_176, %add3A_177 : vector<256x8xf32>
    %reduce_sum3A_179 = arith.constant dense<0.000000e+00> : vector<8xf32>
    %reduce_sum3A_180 = vector.multi_reduction <add>, %slice3A_167, %reduce_sum3A_179 [0] : vector<256x8xf32> to vector<8xf32>
    %broadcast_in_dim3A_181 = vector.shape_cast %reduce_sum3A_180 : vector<8xf32> to vector<1x8xf32>
    %add3A_182 = arith.addf %add3A_162, %broadcast_in_dim3A_181 : vector<1x8xf32>
    %reduce_sum3A_183 = arith.constant dense<0.000000e+00> : vector<8xf32>
    %reduce_sum3A_184 = vector.multi_reduction <add>, %slice3A_168, %reduce_sum3A_183 [0] : vector<256x8xf32> to vector<8xf32>
    %broadcast_in_dim3A_185 = vector.shape_cast %reduce_sum3A_184 : vector<8xf32> to vector<1x8xf32>
    %add3A_186 = arith.addf %add3A_166, %broadcast_in_dim3A_185 : vector<1x8xf32>
    %slice3A_187 = vector.extract_strided_slice %convert_element_type3A_61 {offsets = [1280, 0], sizes = [256, 8], strides = [1, 1]} : vector<2048x8xf32> to vector<256x8xf32>
    %slice3A_188 = vector.extract_strided_slice %convert_element_type3A_66 {offsets = [1280, 0], sizes = [256, 8], strides = [1, 1]} : vector<2048x8xf32> to vector<256x8xf32>
    %convert_element_type3A_189 = arith.truncf %slice3A_187 : vector<256x8xf32> to vector<256x8xbf16>
    %dot_general3A_190 = arith.constant dense<0.000000e+00> : vector<256x8xf32>
    %dot_general3A_191 = tpu.matmul %convert_element_type3A_82, %convert_element_type3A_189, %dot_general3A_190 {dimension_numbers = #tpu.dot_dimension_numbers<[1], [0], [0], [1], [0, 0, 1, 1], [], []>, transpose_lhs_hint = false} : vector<256x256xbf16>, vector<256x8xbf16>, vector<256x8xf32> -> vector<256x8xf32>
    %add3A_192 = vector.broadcast %add3A_182 : vector<1x8xf32> to vector<256x8xf32>
    %add3A_193 = arith.addf %dot_general3A_191, %add3A_192 : vector<256x8xf32>
    %convert_element_type3A_194 = arith.truncf %slice3A_188 : vector<256x8xf32> to vector<256x8xbf16>
    %dot_general3A_195 = arith.constant dense<0.000000e+00> : vector<256x8xf32>
    %dot_general3A_196 = tpu.matmul %convert_element_type3A_82, %convert_element_type3A_194, %dot_general3A_195 {dimension_numbers = #tpu.dot_dimension_numbers<[1], [0], [0], [1], [0, 0, 1, 1], [], []>, transpose_lhs_hint = false} : vector<256x256xbf16>, vector<256x8xbf16>, vector<256x8xf32> -> vector<256x8xf32>
    %add3A_197 = vector.broadcast %add3A_186 : vector<1x8xf32> to vector<256x8xf32>
    %add3A_198 = arith.addf %dot_general3A_196, %add3A_197 : vector<256x8xf32>
    %reduce_sum3A_199 = arith.constant dense<0.000000e+00> : vector<8xf32>
    %reduce_sum3A_200 = vector.multi_reduction <add>, %slice3A_187, %reduce_sum3A_199 [0] : vector<256x8xf32> to vector<8xf32>
    %broadcast_in_dim3A_201 = vector.shape_cast %reduce_sum3A_200 : vector<8xf32> to vector<1x8xf32>
    %add3A_202 = arith.addf %add3A_182, %broadcast_in_dim3A_201 : vector<1x8xf32>
    %reduce_sum3A_203 = arith.constant dense<0.000000e+00> : vector<8xf32>
    %reduce_sum3A_204 = vector.multi_reduction <add>, %slice3A_188, %reduce_sum3A_203 [0] : vector<256x8xf32> to vector<8xf32>
    %broadcast_in_dim3A_205 = vector.shape_cast %reduce_sum3A_204 : vector<8xf32> to vector<1x8xf32>
    %add3A_206 = arith.addf %add3A_186, %broadcast_in_dim3A_205 : vector<1x8xf32>
    %slice3A_207 = vector.extract_strided_slice %convert_element_type3A_61 {offsets = [1536, 0], sizes = [256, 8], strides = [1, 1]} : vector<2048x8xf32> to vector<256x8xf32>
    %slice3A_208 = vector.extract_strided_slice %convert_element_type3A_66 {offsets = [1536, 0], sizes = [256, 8], strides = [1, 1]} : vector<2048x8xf32> to vector<256x8xf32>
    %convert_element_type3A_209 = arith.truncf %slice3A_207 : vector<256x8xf32> to vector<256x8xbf16>
    %dot_general3A_210 = arith.constant dense<0.000000e+00> : vector<256x8xf32>
    %dot_general3A_211 = tpu.matmul %convert_element_type3A_82, %convert_element_type3A_209, %dot_general3A_210 {dimension_numbers = #tpu.dot_dimension_numbers<[1], [0], [0], [1], [0, 0, 1, 1], [], []>, transpose_lhs_hint = false} : vector<256x256xbf16>, vector<256x8xbf16>, vector<256x8xf32> -> vector<256x8xf32>
    %add3A_212 = vector.broadcast %add3A_202 : vector<1x8xf32> to vector<256x8xf32>
    %add3A_213 = arith.addf %dot_general3A_211, %add3A_212 : vector<256x8xf32>
    %convert_element_type3A_214 = arith.truncf %slice3A_208 : vector<256x8xf32> to vector<256x8xbf16>
    %dot_general3A_215 = arith.constant dense<0.000000e+00> : vector<256x8xf32>
    %dot_general3A_216 = tpu.matmul %convert_element_type3A_82, %convert_element_type3A_214, %dot_general3A_215 {dimension_numbers = #tpu.dot_dimension_numbers<[1], [0], [0], [1], [0, 0, 1, 1], [], []>, transpose_lhs_hint = false} : vector<256x256xbf16>, vector<256x8xbf16>, vector<256x8xf32> -> vector<256x8xf32>
    %add3A_217 = vector.broadcast %add3A_206 : vector<1x8xf32> to vector<256x8xf32>
    %add3A_218 = arith.addf %dot_general3A_216, %add3A_217 : vector<256x8xf32>
    %reduce_sum3A_219 = arith.constant dense<0.000000e+00> : vector<8xf32>
    %reduce_sum3A_220 = vector.multi_reduction <add>, %slice3A_207, %reduce_sum3A_219 [0] : vector<256x8xf32> to vector<8xf32>
    %broadcast_in_dim3A_221 = vector.shape_cast %reduce_sum3A_220 : vector<8xf32> to vector<1x8xf32>
    %add3A_222 = arith.addf %add3A_202, %broadcast_in_dim3A_221 : vector<1x8xf32>
    %reduce_sum3A_223 = arith.constant dense<0.000000e+00> : vector<8xf32>
    %reduce_sum3A_224 = vector.multi_reduction <add>, %slice3A_208, %reduce_sum3A_223 [0] : vector<256x8xf32> to vector<8xf32>
    %broadcast_in_dim3A_225 = vector.shape_cast %reduce_sum3A_224 : vector<8xf32> to vector<1x8xf32>
    %add3A_226 = arith.addf %add3A_206, %broadcast_in_dim3A_225 : vector<1x8xf32>
    %slice3A_227 = vector.extract_strided_slice %convert_element_type3A_61 {offsets = [1792, 0], sizes = [256, 8], strides = [1, 1]} : vector<2048x8xf32> to vector<256x8xf32>
    %slice3A_228 = vector.extract_strided_slice %convert_element_type3A_66 {offsets = [1792, 0], sizes = [256, 8], strides = [1, 1]} : vector<2048x8xf32> to vector<256x8xf32>
    %convert_element_type3A_229 = arith.truncf %slice3A_227 : vector<256x8xf32> to vector<256x8xbf16>
    %dot_general3A_230 = arith.constant dense<0.000000e+00> : vector<256x8xf32>
    %dot_general3A_231 = tpu.matmul %convert_element_type3A_82, %convert_element_type3A_229, %dot_general3A_230 {dimension_numbers = #tpu.dot_dimension_numbers<[1], [0], [0], [1], [0, 0, 1, 1], [], []>, transpose_lhs_hint = false} : vector<256x256xbf16>, vector<256x8xbf16>, vector<256x8xf32> -> vector<256x8xf32>
    %add3A_232 = vector.broadcast %add3A_222 : vector<1x8xf32> to vector<256x8xf32>
    %add3A_233 = arith.addf %dot_general3A_231, %add3A_232 : vector<256x8xf32>
    %convert_element_type3A_234 = arith.truncf %slice3A_228 : vector<256x8xf32> to vector<256x8xbf16>
    %dot_general3A_235 = arith.constant dense<0.000000e+00> : vector<256x8xf32>
    %dot_general3A_236 = tpu.matmul %convert_element_type3A_82, %convert_element_type3A_234, %dot_general3A_235 {dimension_numbers = #tpu.dot_dimension_numbers<[1], [0], [0], [1], [0, 0, 1, 1], [], []>, transpose_lhs_hint = false} : vector<256x256xbf16>, vector<256x8xbf16>, vector<256x8xf32> -> vector<256x8xf32>
    %add3A_237 = vector.broadcast %add3A_226 : vector<1x8xf32> to vector<256x8xf32>
    %add3A_238 = arith.addf %dot_general3A_236, %add3A_237 : vector<256x8xf32>
    %reduce_sum3A_239 = arith.constant dense<0.000000e+00> : vector<8xf32>
    %reduce_sum3A_240 = vector.multi_reduction <add>, %slice3A_227, %reduce_sum3A_239 [0] : vector<256x8xf32> to vector<8xf32>
    %broadcast_in_dim3A_241 = vector.shape_cast %reduce_sum3A_240 : vector<8xf32> to vector<1x8xf32>
    %add3A_242 = arith.addf %add3A_222, %broadcast_in_dim3A_241 : vector<1x8xf32>
    %reduce_sum3A_243 = arith.constant dense<0.000000e+00> : vector<8xf32>
    %reduce_sum3A_244 = vector.multi_reduction <add>, %slice3A_228, %reduce_sum3A_243 [0] : vector<256x8xf32> to vector<8xf32>
    %broadcast_in_dim3A_245 = vector.shape_cast %reduce_sum3A_244 : vector<8xf32> to vector<1x8xf32>
    %add3A_246 = arith.addf %add3A_226, %broadcast_in_dim3A_245 : vector<1x8xf32>
    %concatenate3A = tpu.concatenate %add3A_93, %add3A_113, %add3A_133, %add3A_153, %add3A_173, %add3A_193, %add3A_213, %add3A_233 in 0 : vector<256x8xf32>, vector<256x8xf32>, vector<256x8xf32>, vector<256x8xf32>, vector<256x8xf32>, vector<256x8xf32>, vector<256x8xf32>, vector<256x8xf32> -> vector<2048x8xf32>
    %concatenate3A_247 = tpu.concatenate %add3A_98, %add3A_118, %add3A_138, %add3A_158, %add3A_178, %add3A_198, %add3A_218, %add3A_238 in 0 : vector<256x8xf32>, vector<256x8xf32>, vector<256x8xf32>, vector<256x8xf32>, vector<256x8xf32>, vector<256x8xf32>, vector<256x8xf32>, vector<256x8xf32> -> vector<2048x8xf32>
    %add3A_248 = vector.broadcast %add3A_242 : vector<1x8xf32> to vector<2048x8xf32>
    %add3A_249 = arith.addf %concatenate3A_247, %add3A_248 : vector<2048x8xf32>
    %add3A_250 = arith.addf %add3A_242, %add3A_246 : vector<1x8xf32>
    %convert_element_type3A_251 = arith.fptosi %add3A_250 : vector<1x8xf32> to vector<1x8xi32>
    %add3A_252 = arith.constant 255 : i32
    %add3A_253 = vector.broadcast %add3A_252 : i32 to vector<1x8xi32>
    %add3A_254 = arith.addi %convert_element_type3A_251, %add3A_253 : vector<1x8xi32>
    %jit3A_255 = arith.constant 256 : i32
    %div3A_256 = vector.broadcast %jit3A_255 : i32 to vector<1x8xi32>
    %div3A_257 = arith.divsi %add3A_254, %div3A_256 : vector<1x8xi32>
    %sign3A = arith.constant 0 : i32
    %sign3A_258 = vector.broadcast %sign3A : i32 to vector<1x8xi32>
    %sign3A_259 = arith.cmpi sgt, %add3A_254, %sign3A_258 : vector<1x8xi32>
    %sign3A_260 = arith.extui %sign3A_259 : vector<1x8xi1> to vector<1x8xi32>
    %sign3A_261 = arith.constant 0 : i32
    %sign3A_262 = vector.broadcast %sign3A_261 : i32 to vector<1x8xi32>
    %sign3A_263 = arith.cmpi slt, %add3A_254, %sign3A_262 : vector<1x8xi32>
    %sign3A_264 = arith.extui %sign3A_263 : vector<1x8xi1> to vector<1x8xi32>
    %sign3A_265 = arith.subi %sign3A_260, %sign3A_264 : vector<1x8xi32>
    %sign3A_266 = arith.constant 0 : i32
    %sign3A_267 = arith.cmpi sgt, %jit3A_255, %sign3A_266 : i32
    %sign3A_268 = arith.extui %sign3A_267 : i1 to i32
    %sign3A_269 = arith.constant 0 : i32
    %sign3A_270 = arith.cmpi slt, %jit3A_255, %sign3A_269 : i32
    %sign3A_271 = arith.extui %sign3A_270 : i1 to i32
    %sign3A_272 = arith.subi %sign3A_268, %sign3A_271 : i32
    %ne3A = vector.broadcast %sign3A_272 : i32 to vector<1x8xi32>
    %ne3A_273 = arith.cmpi ne, %sign3A_265, %ne3A : vector<1x8xi32>
    %rem3A = vector.broadcast %jit3A_255 : i32 to vector<1x8xi32>
    %rem3A_274 = arith.remsi %add3A_254, %rem3A : vector<1x8xi32>
    %ne3A_275 = arith.constant 0 : i32
    %ne3A_276 = vector.broadcast %ne3A_275 : i32 to vector<1x8xi32>
    %ne3A_277 = arith.cmpi ne, %rem3A_274, %ne3A_276 : vector<1x8xi32>
    %and3A_278 = arith.andi %ne3A_273, %ne3A_277 : vector<1x8xi1>
    %sub3A_279 = arith.constant 1 : i32
    %sub3A_280 = vector.broadcast %sub3A_279 : i32 to vector<1x8xi32>
    %sub3A_281 = arith.subi %div3A_257, %sub3A_280 : vector<1x8xi32>
    %select_n3A_282 = arith.select %and3A_278, %sub3A_281, %div3A_257 : vector<1x8xi1>, vector<1x8xi32>
    %iota3A_283 = tpu.iota {dimensions = array<i32: 0>} : vector<8x8xi32>
    %iota3A_284 = tpu.iota {dimensions = array<i32: 1>} : vector<8x8xi32>
    %lt3A_285 = arith.cmpi slt, %iota3A_283, %iota3A_284 : vector<8x8xi32>
    %convert_element_type3A_286 = arith.extui %lt3A_285 : vector<8x8xi1> to vector<8x8xi32>
    %convert_element_type3A_287 = arith.sitofp %convert_element_type3A_286 : vector<8x8xi32> to vector<8x8xf32>
    %convert_element_type3A_288 = arith.sitofp %select_n3A_282 : vector<1x8xi32> to vector<1x8xf32>
    %dot_general3A_289 = arith.constant dense<0.000000e+00> : vector<1x8xf32>
    %dot_general3A_290 = tpu.matmul %convert_element_type3A_288, %convert_element_type3A_287, %dot_general3A_289 {dimension_numbers = #tpu.dot_dimension_numbers<[1], [0], [0], [1], [0, 0, 1, 1], [], []>, transpose_lhs_hint = false} : vector<1x8xf32>, vector<8x8xf32>, vector<1x8xf32> -> vector<1x8xf32>
    %convert_element_type3A_291 = arith.fptosi %dot_general3A_290 : vector<1x8xf32> to vector<1x8xi32>
    %mul3A_292 = arith.constant 256 : i32
    %mul3A_293 = vector.broadcast %mul3A_292 : i32 to vector<1x8xi32>
    %mul3A_294 = arith.muli %convert_element_type3A_291, %mul3A_293 : vector<1x8xi32>
    %convert_element_type3A_295 = arith.sitofp %mul3A_294 : vector<1x8xi32> to vector<1x8xf32>
    %add3A_296 = vector.broadcast %convert_element_type3A_295 : vector<1x8xf32> to vector<2048x8xf32>
    %add3A_297 = arith.addf %add3A_296, %concatenate3A : vector<2048x8xf32>
    %mul3A_298 = arith.mulf %convert_element_type3A_61, %add3A_297 : vector<2048x8xf32>
    %reduce_sum3A_299 = arith.constant dense<0.000000e+00> : vector<2048xf32>
    %reduce_sum3A_300 = vector.multi_reduction <add>, %mul3A_298, %reduce_sum3A_299 [1] : vector<2048x8xf32> to vector<2048xf32>
    %broadcast_in_dim3A_301 = vector.shape_cast %reduce_sum3A_300 : vector<2048xf32> to vector<2048x1xf32>
    %add3A_302 = vector.broadcast %convert_element_type3A_295 : vector<1x8xf32> to vector<2048x8xf32>
    %add3A_303 = arith.addf %add3A_302, %add3A_249 : vector<2048x8xf32>
    %mul3A_304 = arith.mulf %convert_element_type3A_66, %add3A_303 : vector<2048x8xf32>
    %reduce_sum3A_305 = arith.constant dense<0.000000e+00> : vector<2048xf32>
    %reduce_sum3A_306 = vector.multi_reduction <add>, %mul3A_304, %reduce_sum3A_305 [1] : vector<2048x8xf32> to vector<2048xf32>
    %broadcast_in_dim3A_307 = vector.shape_cast %reduce_sum3A_306 : vector<2048xf32> to vector<2048x1xf32>
    %convert_element_type3A_308 = arith.fptosi %broadcast_in_dim3A_301 : vector<2048x1xf32> to vector<2048x1xi32>
    %swap3A_309 = arith.constant 0 : index
    %swap3A_310 = arith.constant 0 : index
    %swap3A_311 = vector.load %arg5[%swap3A_309, %swap3A_310] : memref<2048x1xi32, #tpu.memory_space<vmem>>, vector<2048x1xi32>
    tpu.vector_store %arg5[%swap3A_309, %swap3A_310], %convert_element_type3A_308 {strides = array<i32>} : memref<2048x1xi32, #tpu.memory_space<vmem>>, vector<2048x1xi32>,
    %convert_element_type3A_312 = arith.fptosi %broadcast_in_dim3A_307 : vector<2048x1xf32> to vector<2048x1xi32>
    %swap3A_313 = arith.constant 0 : index
    %swap3A_314 = arith.constant 0 : index
    %swap3A_315 = vector.load %arg6[%swap3A_313, %swap3A_314] : memref<2048x1xi32, #tpu.memory_space<vmem>>, vector<2048x1xi32>
    tpu.vector_store %arg6[%swap3A_313, %swap3A_314], %convert_element_type3A_312 {strides = array<i32>} : memref<2048x1xi32, #tpu.memory_space<vmem>>, vector<2048x1xi32>,
    %iota3A_316 = tpu.iota {dimensions = array<i32: 0>} : vector<24x8xi32>
    %add3A_317 = arith.addi %convert_element_type3A_291, %select_n3A_282 : vector<1x8xi32>
    %ge3A_318 = vector.broadcast %add3A_317 : vector<1x8xi32> to vector<24x8xi32>
    %ge3A_319 = arith.cmpi sge, %iota3A_316, %ge3A_318 : vector<24x8xi32>
    %convert_element_type3A_320 = arith.extui %ge3A_319 : vector<24x8xi1> to vector<24x8xi32>
    %reduce_sum3A_321 = arith.constant dense<0> : vector<24xi32>
    %reduce_sum3A_322 = vector.multi_reduction <add>, %convert_element_type3A_320, %reduce_sum3A_321 [1] : vector<24x8xi32> to vector<24xi32>
    %broadcast_in_dim3A_323 = vector.shape_cast %reduce_sum3A_322 : vector<24xi32> to vector<24x1xi32>
    %min3A = arith.constant 7 : i32
    %min3A_324 = vector.broadcast %min3A : i32 to vector<24x1xi32>
    %min3A_325 = arith.minsi %broadcast_in_dim3A_323, %min3A_324 : vector<24x1xi32>
    %iota3A_326 = tpu.iota {dimensions = array<i32: 1>} : vector<24x8xi32>
    %eq3A = vector.broadcast %min3A_325 : vector<24x1xi32> to vector<24x8xi32>
    %eq3A_327 = arith.cmpi eq, %iota3A_326, %eq3A : vector<24x8xi32>
    %convert_element_type3A_328 = arith.extui %eq3A_327 : vector<24x8xi1> to vector<24x8xi32>
    %convert_element_type3A_329 = arith.sitofp %convert_element_type3A_328 : vector<24x8xi32> to vector<24x8xf32>
    %mul3A_330 = vector.broadcast %add3A_250 : vector<1x8xf32> to vector<24x8xf32>
    %mul3A_331 = arith.mulf %convert_element_type3A_329, %mul3A_330 : vector<24x8xf32>
    %reduce_sum3A_332 = arith.constant dense<0.000000e+00> : vector<24xf32>
    %reduce_sum3A_333 = vector.multi_reduction <add>, %mul3A_331, %reduce_sum3A_332 [1] : vector<24x8xf32> to vector<24xf32>
    %broadcast_in_dim3A_334 = vector.shape_cast %reduce_sum3A_333 : vector<24xf32> to vector<24x1xf32>
    %convert_element_type3A_335 = arith.fptosi %broadcast_in_dim3A_334 : vector<24x1xf32> to vector<24x1xi32>
    %convert_element_type3A_336 = arith.sitofp %convert_element_type3A_291 : vector<1x8xi32> to vector<1x8xf32>
    %mul3A_337 = vector.broadcast %convert_element_type3A_336 : vector<1x8xf32> to vector<24x8xf32>
    %mul3A_338 = arith.mulf %convert_element_type3A_329, %mul3A_337 : vector<24x8xf32>
    %reduce_sum3A_339 = arith.constant dense<0.000000e+00> : vector<24xf32>
    %reduce_sum3A_340 = vector.multi_reduction <add>, %mul3A_338, %reduce_sum3A_339 [1] : vector<24x8xf32> to vector<24xf32>
    %broadcast_in_dim3A_341 = vector.shape_cast %reduce_sum3A_340 : vector<24xf32> to vector<24x1xf32>
    %convert_element_type3A_342 = arith.fptosi %broadcast_in_dim3A_341 : vector<24x1xf32> to vector<24x1xi32>
    %iota3A_343 = tpu.iota {dimensions = array<i32: 0>} : vector<24x1xi32>
    %sub3A_344 = arith.subi %iota3A_343, %convert_element_type3A_342 : vector<24x1xi32>
    %mul3A_345 = arith.constant 256 : i32
    %mul3A_346 = vector.broadcast %mul3A_345 : i32 to vector<24x1xi32>
    %mul3A_347 = arith.muli %sub3A_344, %mul3A_346 : vector<24x1xi32>
    %sub3A_348 = arith.subi %convert_element_type3A_335, %mul3A_347 : vector<24x1xi32>
    %jit3A_349 = arith.constant 0 : i32
    %jit3A_350 = arith.constant 256 : i32
    %max3A_351 = vector.broadcast %jit3A_349 : i32 to vector<24x1xi32>
    %max3A_352 = arith.maxsi %max3A_351, %sub3A_348 : vector<24x1xi32>
    %min3A_353 = vector.broadcast %jit3A_350 : i32 to vector<24x1xi32>
    %min3A_354 = arith.minsi %min3A_353, %max3A_352 : vector<24x1xi32>
    %swap3A_355 = arith.constant 0 : index
    %swap3A_356 = arith.constant 0 : index
    %swap3A_357 = vector.load %arg9[%swap3A_355, %swap3A_356] : memref<24x1xi32, #tpu.memory_space<vmem>>, vector<24x1xi32>
    tpu.vector_store %arg9[%swap3A_355, %swap3A_356], %min3A_325 {strides = array<i32>} : memref<24x1xi32, #tpu.memory_space<vmem>>, vector<24x1xi32>,
    %swap3A_358 = arith.constant 0 : index
    %swap3A_359 = arith.constant 0 : index
    %swap3A_360 = vector.load %arg10[%swap3A_358, %swap3A_359] : memref<24x1xi32, #tpu.memory_space<vmem>>, vector<24x1xi32>
    tpu.vector_store %arg10[%swap3A_358, %swap3A_359], %min3A_354 {strides = array<i32>} : memref<24x1xi32, #tpu.memory_space<vmem>>, vector<24x1xi32>,
    %reduce_sum3A_361 = arith.constant dense<0> : vector<1xi32>
    %reduce_sum3A_362 = vector.multi_reduction <add>, %select_n3A_282, %reduce_sum3A_361 [1] : vector<1x8xi32> to vector<1xi32>
    %broadcast_in_dim3A_363 = vector.shape_cast %reduce_sum3A_362 : vector<1xi32> to vector<1x1xi32>
    %sub3A_364 = arith.constant 1 : i32
    %sub3A_365 = vector.broadcast %sub3A_364 : i32 to vector<1x1xi32>
    %sub3A_366 = arith.subi %broadcast_in_dim3A_363, %sub3A_365 : vector<1x1xi32>
    %min3A_367 = vector.broadcast %sub3A_366 : vector<1x1xi32> to vector<24x1xi32>
    %min3A_368 = arith.minsi %iota3A_343, %min3A_367 : vector<24x1xi32>
    %swap3A_369 = arith.constant 0 : index
    %swap3A_370 = arith.constant 0 : index
    %swap3A_371 = vector.load %arg11[%swap3A_369, %swap3A_370] : memref<24x1xi32, #tpu.memory_space<vmem>>, vector<24x1xi32>
    tpu.vector_store %arg11[%swap3A_369, %swap3A_370], %min3A_368 {strides = array<i32>} : memref<24x1xi32, #tpu.memory_space<vmem>>, vector<24x1xi32>,
    return
  }
}

module attributes {stable_mosaic.version = 14 : i64} {
  func.func @_ffn_body(%arg0: i32, %arg1: memref<24xi32, #tpu.memory_space<smem>>, %arg2: memref<24xi32, #tpu.memory_space<smem>>, %arg3: memref<24xi32, #tpu.memory_space<smem>>, %arg4: memref<256x384xi32, #tpu.memory_space<vmem>>, %arg5: memref<1x768x768xf32, #tpu.memory_space<vmem>>, %arg6: memref<1x1x768xf32, #tpu.memory_space<vmem>>, %arg7: memref<1x768x768xf32, #tpu.memory_space<vmem>>, %arg8: memref<1x1x768xf32, #tpu.memory_space<vmem>>, %arg9: memref<256x384xi32, #tpu.memory_space<vmem>>) attributes {dimension_semantics = [#tpu.dimension_semantics<arbitrary>], iteration_bounds = array<i64: 24>, scalar_prefetch = 3 : i64, scratch_operands = 0 : i64, tpu.core_type = #tpu.core_type<tc>, window_params = [{transform_indices = @transform_0, window_bounds = array<i64: 256, 384>}, {transform_indices = @transform_1, window_bounds = array<i64: 1, 768, 768>}, {transform_indices = @transform_2, window_bounds = array<i64: 1, 1, 768>}, {transform_indices = @transform_3, window_bounds = array<i64: 1, 768, 768>}, {transform_indices = @transform_4, window_bounds = array<i64: 1, 1, 768>}, {transform_indices = @transform_5, window_bounds = array<i64: 256, 384>}]} {
    %get3A = arith.index_cast %arg0 : i32 to index
    %get3A_0 = memref.load %arg2[%get3A] : memref<24xi32, #tpu.memory_space<smem>>
    %gt3A = arith.constant 0 : i32
    %gt3A_1 = arith.cmpi sgt, %get3A_0, %gt3A : i32
    %convert_element_type3A = arith.extui %gt3A_1 : i1 to i32
    %cond3A = arith.constant 0 : i32
    %cond3A_2 = arith.cmpi ne, %convert_element_type3A, %cond3A : i32
    scf.if %cond3A_2 {
      %get3A_3 = arith.constant 0 : index
      %get3A_4 = arith.constant 0 : index
      %get3A_5 = vector.load %arg4[%get3A_3, %get3A_4] : memref<256x384xi32, #tpu.memory_space<vmem>>, vector<256x384xi32>
      %and3A = arith.constant 65535 : i32
      %and3A_6 = vector.broadcast %and3A : i32 to vector<256x384xi32>
      %and3A_7 = arith.andi %get3A_5, %and3A_6 : vector<256x384xi32>
      %convert_element_type3A_8 = arith.trunci %and3A_7 : vector<256x384xi32> to vector<256x384xi16>
      %bitcast_convert_type3A = tpu.bitcast %convert_element_type3A_8 : vector<256x384xi16> -> vector<256x384xbf16>
      %shift_right_logical3A = arith.constant 16 : i32
      %shift_right_logical3A_9 = vector.broadcast %shift_right_logical3A : i32 to vector<256x384xi32>
      %shift_right_logical3A_10 = arith.shrui %get3A_5, %shift_right_logical3A_9 : vector<256x384xi32>
      %convert_element_type3A_11 = arith.trunci %shift_right_logical3A_10 : vector<256x384xi32> to vector<256x384xi16>
      %bitcast_convert_type3A_12 = tpu.bitcast %convert_element_type3A_11 : vector<256x384xi16> -> vector<256x384xbf16>
      %concatenate3A = tpu.concatenate %bitcast_convert_type3A, %bitcast_convert_type3A_12 in 1 : vector<256x384xbf16>, vector<256x384xbf16> -> vector<256x768xbf16>
      %convert_element_type3A_13 = arith.extf %concatenate3A : vector<256x768xbf16> to vector<256x768xf32>
      %get3A_14 = arith.constant 0 : index
      %get3A_15 = arith.constant 0 : index
      %get3A_16 = arith.constant 0 : index
      %get3A_17 = vector.load %arg5[%get3A_14, %get3A_15, %get3A_16] : memref<1x768x768xf32, #tpu.memory_space<vmem>>, vector<1x768x768xf32>
      %get3A_18 = vector.shape_cast %get3A_17 : vector<1x768x768xf32> to vector<768x768xf32>
      %dot_general3A = arith.constant dense<0.000000e+00> : vector<256x768xf32>
      %dot_general3A_19 = tpu.matmul %convert_element_type3A_13, %get3A_18, %dot_general3A {dimension_numbers = #tpu.dot_dimension_numbers<[1], [0], [0], [1], [0, 0, 1, 1], [], []>, transpose_lhs_hint = false} : vector<256x768xf32>, vector<768x768xf32>, vector<256x768xf32> -> vector<256x768xf32>
      %get3A_20 = arith.constant 0 : index
      %get3A_21 = arith.constant 0 : index
      %get3A_22 = arith.constant 0 : index
      %get3A_23 = vector.load %arg6[%get3A_20, %get3A_21, %get3A_22] : memref<1x1x768xf32, #tpu.memory_space<vmem>>, vector<1x1x768xf32>
      %get3A_24 = vector.shape_cast %get3A_23 : vector<1x1x768xf32> to vector<1x768xf32>
      %add3A = vector.broadcast %get3A_24 : vector<1x768xf32> to vector<256x768xf32>
      %add3A_25 = arith.addf %dot_general3A_19, %add3A : vector<256x768xf32>
      %integer_pow3A = arith.mulf %add3A_25, %add3A_25 : vector<256x768xf32>
      %integer_pow3A_26 = arith.mulf %add3A_25, %integer_pow3A : vector<256x768xf32>
      %mul3A = arith.constant 4.471500e-02 : f32
      %mul3A_27 = vector.broadcast %mul3A : f32 to vector<256x768xf32>
      %mul3A_28 = arith.mulf %mul3A_27, %integer_pow3A_26 : vector<256x768xf32>
      %add3A_29 = arith.addf %add3A_25, %mul3A_28 : vector<256x768xf32>
      %mul3A_30 = arith.constant 0.797884583 : f32
      %mul3A_31 = vector.broadcast %mul3A_30 : f32 to vector<256x768xf32>
      %mul3A_32 = arith.mulf %mul3A_31, %add3A_29 : vector<256x768xf32>
      %tanh3A = math.tanh %mul3A_32 : vector<256x768xf32>
      %add3A_33 = arith.constant 1.000000e+00 : f32
      %add3A_34 = vector.broadcast %add3A_33 : f32 to vector<256x768xf32>
      %add3A_35 = arith.addf %add3A_34, %tanh3A : vector<256x768xf32>
      %mul3A_36 = arith.constant 5.000000e-01 : f32
      %mul3A_37 = vector.broadcast %mul3A_36 : f32 to vector<256x768xf32>
      %mul3A_38 = arith.mulf %mul3A_37, %add3A_35 : vector<256x768xf32>
      %mul3A_39 = arith.mulf %add3A_25, %mul3A_38 : vector<256x768xf32>
      %get3A_40 = arith.constant 0 : index
      %get3A_41 = arith.constant 0 : index
      %get3A_42 = arith.constant 0 : index
      %get3A_43 = vector.load %arg7[%get3A_40, %get3A_41, %get3A_42] : memref<1x768x768xf32, #tpu.memory_space<vmem>>, vector<1x768x768xf32>
      %get3A_44 = vector.shape_cast %get3A_43 : vector<1x768x768xf32> to vector<768x768xf32>
      %dot_general3A_45 = arith.constant dense<0.000000e+00> : vector<256x768xf32>
      %dot_general3A_46 = tpu.matmul %mul3A_39, %get3A_44, %dot_general3A_45 {dimension_numbers = #tpu.dot_dimension_numbers<[1], [0], [0], [1], [0, 0, 1, 1], [], []>, transpose_lhs_hint = false} : vector<256x768xf32>, vector<768x768xf32>, vector<256x768xf32> -> vector<256x768xf32>
      %get3A_47 = arith.constant 0 : index
      %get3A_48 = arith.constant 0 : index
      %get3A_49 = arith.constant 0 : index
      %get3A_50 = vector.load %arg8[%get3A_47, %get3A_48, %get3A_49] : memref<1x1x768xf32, #tpu.memory_space<vmem>>, vector<1x1x768xf32>
      %get3A_51 = vector.shape_cast %get3A_50 : vector<1x1x768xf32> to vector<1x768xf32>
      %add3A_52 = vector.broadcast %get3A_51 : vector<1x768xf32> to vector<256x768xf32>
      %add3A_53 = arith.addf %dot_general3A_46, %add3A_52 : vector<256x768xf32>
      %convert_element_type3A_54 = arith.truncf %add3A_53 : vector<256x768xf32> to vector<256x768xbf16>
      %slice3A = vector.extract_strided_slice %convert_element_type3A_54 {offsets = [0, 0], sizes = [256, 384], strides = [1, 1]} : vector<256x768xbf16> to vector<256x384xbf16>
      %bitcast_convert_type3A_55 = tpu.bitcast %slice3A : vector<256x384xbf16> -> vector<256x384xi16>
      %convert_element_type3A_56 = arith.extui %bitcast_convert_type3A_55 : vector<256x384xi16> to vector<256x384xi32>
      %slice3A_57 = vector.extract_strided_slice %convert_element_type3A_54 {offsets = [0, 384], sizes = [256, 384], strides = [1, 1]} : vector<256x768xbf16> to vector<256x384xbf16>
      %bitcast_convert_type3A_58 = tpu.bitcast %slice3A_57 : vector<256x384xbf16> -> vector<256x384xi16>
      %convert_element_type3A_59 = arith.extui %bitcast_convert_type3A_58 : vector<256x384xi16> to vector<256x384xi32>
      %shift_left3A = arith.constant 16 : i32
      %shift_left3A_60 = vector.broadcast %shift_left3A : i32 to vector<256x384xi32>
      %shift_left3A_61 = arith.shli %convert_element_type3A_59, %shift_left3A_60 : vector<256x384xi32>
      %or3A = arith.ori %convert_element_type3A_56, %shift_left3A_61 : vector<256x384xi32>
      %swap3A = arith.constant 0 : index
      %swap3A_62 = arith.constant 0 : index
      %swap3A_63 = vector.load %arg9[%swap3A, %swap3A_62] : memref<256x384xi32, #tpu.memory_space<vmem>>, vector<256x384xi32>
      tpu.vector_store %arg9[%swap3A, %swap3A_62], %or3A {strides = array<i32>} : memref<256x384xi32, #tpu.memory_space<vmem>>, vector<256x384xi32>,
    } else {
    }
    return
  }
  func.func @transform_0(%arg0: i32, %arg1: memref<24xi32, #tpu.memory_space<smem>>, %arg2: memref<24xi32, #tpu.memory_space<smem>>, %arg3: memref<24xi32, #tpu.memory_space<smem>>) -> (i32, i32) {
    %get3A = arith.index_cast %arg0 : i32 to index
    %get3A_0 = memref.load %arg3[%get3A] : memref<24xi32, #tpu.memory_space<smem>>
    %c0_i32 = arith.constant 0 : i32
    %c0_i32_1 = arith.constant 0 : i32
    return %get3A_0, %c0_i32 : i32, i32
  }
  func.func @transform_1(%arg0: i32, %arg1: memref<24xi32, #tpu.memory_space<smem>>, %arg2: memref<24xi32, #tpu.memory_space<smem>>, %arg3: memref<24xi32, #tpu.memory_space<smem>>) -> (i32, i32, i32) {
    %get3A = arith.index_cast %arg0 : i32 to index
    %get3A_0 = memref.load %arg1[%get3A] : memref<24xi32, #tpu.memory_space<smem>>
    %c0_i32 = arith.constant 0 : i32
    %c0_i32_1 = arith.constant 0 : i32
    %c0_i32_2 = arith.constant 0 : i32
    return %get3A_0, %c0_i32, %c0_i32_1 : i32, i32, i32
  }
  func.func @transform_2(%arg0: i32, %arg1: memref<24xi32, #tpu.memory_space<smem>>, %arg2: memref<24xi32, #tpu.memory_space<smem>>, %arg3: memref<24xi32, #tpu.memory_space<smem>>) -> (i32, i32, i32) {
    %get3A = arith.index_cast %arg0 : i32 to index
    %get3A_0 = memref.load %arg1[%get3A] : memref<24xi32, #tpu.memory_space<smem>>
    %c0_i32 = arith.constant 0 : i32
    %c0_i32_1 = arith.constant 0 : i32
    %c0_i32_2 = arith.constant 0 : i32
    return %get3A_0, %c0_i32, %c0_i32_1 : i32, i32, i32
  }
  func.func @transform_3(%arg0: i32, %arg1: memref<24xi32, #tpu.memory_space<smem>>, %arg2: memref<24xi32, #tpu.memory_space<smem>>, %arg3: memref<24xi32, #tpu.memory_space<smem>>) -> (i32, i32, i32) {
    %get3A = arith.index_cast %arg0 : i32 to index
    %get3A_0 = memref.load %arg1[%get3A] : memref<24xi32, #tpu.memory_space<smem>>
    %c0_i32 = arith.constant 0 : i32
    %c0_i32_1 = arith.constant 0 : i32
    %c0_i32_2 = arith.constant 0 : i32
    return %get3A_0, %c0_i32, %c0_i32_1 : i32, i32, i32
  }
  func.func @transform_4(%arg0: i32, %arg1: memref<24xi32, #tpu.memory_space<smem>>, %arg2: memref<24xi32, #tpu.memory_space<smem>>, %arg3: memref<24xi32, #tpu.memory_space<smem>>) -> (i32, i32, i32) {
    %get3A = arith.index_cast %arg0 : i32 to index
    %get3A_0 = memref.load %arg1[%get3A] : memref<24xi32, #tpu.memory_space<smem>>
    %c0_i32 = arith.constant 0 : i32
    %c0_i32_1 = arith.constant 0 : i32
    %c0_i32_2 = arith.constant 0 : i32
    return %get3A_0, %c0_i32, %c0_i32_1 : i32, i32, i32
  }
  func.func @transform_5(%arg0: i32, %arg1: memref<24xi32, #tpu.memory_space<smem>>, %arg2: memref<24xi32, #tpu.memory_space<smem>>, %arg3: memref<24xi32, #tpu.memory_space<smem>>) -> (i32, i32) {
    %get3A = arith.index_cast %arg0 : i32 to index
    %get3A_0 = memref.load %arg3[%get3A] : memref<24xi32, #tpu.memory_space<smem>>
    %c0_i32 = arith.constant 0 : i32
    %c0_i32_1 = arith.constant 0 : i32
    return %get3A_0, %c0_i32 : i32, i32
  }
}

</mosaic_0001>

<sc_bundles>
// kernel: kernel.10.cloned.1.call-start
scs
__scs_entry_jumppad:
0x0: {  	(pc) =	sbr.rel $0x88, $3  }
0x1: {  	(tag) =	ssettag $0x0;
	lr =	simm.s32 $0x1  }
0x2: {  	[smem:$0x3F99] =	sst lr;
	_ =	strace $0xD0000000  }
0x3: {  	_ = 	snop  }
0x4: {  	_ = 	snop  }
0x5: {  	_ = 	snop  }
0x6: {  	_ = 	snop  }
0x7: {  	_ = 	snop  }
__scs_overlays_trampoline_lowered:
0x8: {  	[smem:$0x3FA8] =	sst s0  }
0x9: {  	[smem:$0x3FA9] =	sst s1  }
0xa: {  	[smem:$0x3FAA] =	sst s2  }
0xb: {  	[smem:$0x3FAB] =	sst s3  }
0xc: {  	[smem:$0x3FAC] =	sst s4  }
0xd: {  	[smem:$0x3FAD] =	sst s5  }
0xe: {  	[smem:$0x3FAE] =	sst s6  }
0xf: {  	[smem:$0x3FAF] =	sst s7  }
0x10: {  	[smem:$0x3FB0] =	sst s8  }
0x11: {  	[smem:$0x3FB1] =	sst s9;
	s0 =	simm.s32 @!p0 $0x0  }
0x12: {  	s1 =	sld [smem:$0x3F97];
	s0 =	simm.s32 @p0 $0x1  }
0x13: {  	[smem:$0x3FB2] =	sst s0;
	s0 =	simm.s32 @!p1 $0x0  }
0x14: {  	s2 =	sld [smem:$0x3F96];
	s0 =	simm.s32 @p1 $0x1  }
0x15: {  	[smem:$0x3FB3] =	sst s0;
	s0 =	simm.s32 @!p2 $0x0  }
0x16: {  	s3 =	sld [smem:$0x3FDB];
	s0 =	simm.s32 @p2 $0x1  }
0x17: {  	s4 =	simm.s32 $0x1BF5;
	[smem:$0x3FB5] =	sst s0  }
0x18: {  	s0 =	sld [smem:$0x3F98];
	_ =	swait.ge [sflag:s4], $0x0  }
0x19: {  	s7 =	sld [smem:$0x3F99]  }
0x1a: {  	s8 =	sadd.s32 $0xFFFFE003, lr  }
0x1b: {  	s9 =	sadd.s32 $0xFFFFFEF7, lr;
	s5 =	simm.s32 $0xFFFFFFFF;
	p2 =	slt.u32 s8, $0xFFFFF086  }
0x1c: {  	p1 =	slt.u32 s9, $0xF7A;
	s5 =	simm.s32 @!p2 $0x0  }
0x1d: {  	s5 =	simm.s32 @p1 $0x1;
	p0 =	seq.s32 s7, s2  }
0x1e: {  	s7 =	smul.u32 @!p0 $0xF7A, s2;
	p2 =	seq.s32 @!p0 s5, $0x0  }
0x1f: {  	s9 =	smul.u32 $0xF7A, s1;
	s8 =	simm.s32 @!p0 $0x1BF5;
	p2 =	por !p2, p0  }
0x20: {  	[sflag:s8] =	ssyncset.s32 @!p0 $0xFFFFF086;
	s6 =	sadd.s32 @!p0 s3, s7;
	s7 =	simm.s32 @!p0 $0x108  }
0x21: {  	s3 =	sadd.s32 s3, s9;
	s6 =	sadd.s32 @!p0 $0x88, s6;
	s7 =	simm.s32 @p2 $0x1082  }
0x22: {  	[simem:s7], [sflag:s8] =	dma.local @!p0 [hbm:s6], $0xF7A  }
0x23: {  	s9 =	sor.u32 $0xD0000000, s2;
	s6 =	simm.s32 $0x108;
	_ =	swait.ge @!p0 [sflag:s8], $0x0  }
0x24: {  	s3 =	sadd.s32 $0x88, s3;
	s6 =	simm.s32 @!p1 $0x1082;
	[sflag:s4] =	ssyncset.s32 $0xFFFFF086  }
0x25: {  	[simem:s6], [sflag:s4] =	dma.local [hbm:s3], $0xF7A  }
0x26: {  	[smem:$0x3F99] =	sst s1;
	(tag) =	ssettag s2;
	_ =	strace s9  }
0x27: {  	s1 =	sld [smem:$0x3FA9]  }
0x28: {  	s2 =	sld [smem:$0x3FAA]  }
0x29: {  	s4 =	sld [smem:$0x3FAC]  }
0x2a: {  	p0 =	seq.s32 s5, $0x0;
	s5 =	sld [smem:$0x3FAD]  }
0x2b: {  	s6 =	sld [smem:$0x3FAE]  }
0x2c: {  	s7 =	sld [smem:$0x3FAF]  }
0x2d: {  	s3 =	simm.s32 $0x108;
	s8 =	sld [smem:$0x3FB0]  }
0x2e: {  	s3 =	simm.s32 @!p0 $0x1082;
	s9 =	sld [smem:$0x3FB1]  }
0x2f: {  	lr =	sadd.s32 s0, s3;
	s0 =	sld [smem:$0x3FA8]  }
0x30: {  	s3 =	sld [smem:$0x3FAB]  }
0x31: {  	[smem:$0x3FB4] =	sst s10  }
0x32: {  	s10 =	sld [smem:$0x3FB2];
	_ =	sdelay $0x3  }
0x33: {  	p0 =	seq.s32 s10, $0x1;
	s10 =	sld [smem:$0x3FB4];
	_ =	sdelay $0x3  }
0x34: {  	[smem:$0x3FB4] =	sst s10  }
0x35: {  	s10 =	sld [smem:$0x3FB3];
	_ =	sdelay $0x3  }
0x36: {  	p1 =	seq.s32 s10, $0x1;
	s10 =	sld [smem:$0x3FB4];
	_ =	sdelay $0x3  }
0x37: {  	[smem:$0x3FB4] =	sst s10  }
0x38: {  	s10 =	sld [smem:$0x3FB5]  }
0x39: {  	_ = 	snop;
	(pc) =	sbr.ind lr, $3  }
0x3a: {  	_ = 	snop  }
0x3b: {  	_ = 	snop  }
0x3c: {  	p2 =	seq.s32 s10, $0x1;
	s10 =	sld [smem:$0x3FB4]  }
0x3d: {  	_ =	shalt  }
0x3e: {  	_ =	shalt  }
0x3f: {  	_ =	shalt  }
0x40: {  	_ =	shalt  }
0x41: {  	_ =	shalt  }
0x42: {  	_ =	shalt  }
0x43: {  	_ =	shalt  }
0x44: {  	_ =	shalt  }
0x45: {  	_ =	shalt  }
0x46: {  	_ =	shalt  }
0x47: {  	_ =	shalt  }
0x48: {  	_ =	shalt  }
0x49: {  	_ =	shalt  }
0x4a: {  	_ =	shalt  }
0x4b: {  	_ =	shalt  }
0x4c: {  	_ =	shalt  }
0x4d: {  	_ =	shalt  }
0x4e: {  	_ =	shalt  }
0x4f: {  	_ =	shalt  }
0x50: {  	_ =	shalt  }
0x51: {  	_ =	shalt  }
0x52: {  	_ =	shalt  }
0x53: {  	_ =	shalt  }
0x54: {  	_ =	shalt  }
0x55: {  	_ =	shalt  }
0x56: {  	_ =	shalt  }
0x57: {  	_ =	shalt  }
0x58: {  	_ =	shalt  }
0x59: {  	_ =	shalt  }
0x5a: {  	_ =	shalt  }
0x5b: {  	_ =	shalt  }
0x5c: {  	_ =	shalt  }
0x5d: {  	_ =	shalt  }
0x5e: {  	_ =	shalt  }
0x5f: {  	_ =	shalt  }
0x60: {  	_ =	shalt  }
0x61: {  	_ =	shalt  }
0x62: {  	_ =	shalt  }
0x63: {  	_ =	shalt  }
0x64: {  	_ =	shalt  }
0x65: {  	_ =	shalt  }
0x66: {  	_ =	shalt  }
0x67: {  	_ =	shalt  }
0x68: {  	_ =	shalt  }
0x69: {  	_ =	shalt  }
0x6a: {  	_ =	shalt  }
0x6b: {  	_ =	shalt  }
0x6c: {  	_ =	shalt  }
0x6d: {  	_ =	shalt  }
0x6e: {  	_ =	shalt  }
0x6f: {  	_ =	shalt  }
0x70: {  	_ =	shalt  }
0x71: {  	_ =	shalt  }
0x72: {  	_ =	shalt  }
0x73: {  	_ =	shalt  }
0x74: {  	_ =	shalt  }
0x75: {  	_ =	shalt  }
0x76: {  	_ =	shalt  }
0x77: {  	_ =	shalt  }
0x78: {  	_ =	shalt  }
0x79: {  	_ =	shalt  }
0x7a: {  	_ =	shalt  }
0x7b: {  	_ =	shalt  }
0x7c: {  	_ =	shalt  }
0x7d: {  	_ =	shalt  }
0x7e: {  	_ =	shalt  }
0x7f: {  	_ =	shalt  }
0x80: {  	_ =	shalt  }
0x81: {  	_ =	shalt  }
0x82: {  	_ =	shalt  }
0x83: {  	_ =	shalt  }
0x84: {  	_ =	shalt  }
0x85: {  	_ =	shalt  }
0x86: {  	_ =	shalt  }
0x87: {  	_ =	shalt  }
.Lfunc_end0:
.L_simem_size_0:
called_computation.1_lowered:
.L_overlay_start_0:
0x88: {  	s2 =	sld [smem:$0x3FD9]  }
0x89: {  	s3 =	sld [smem:$0x3FFE];
	_ =	sdelay $0x1  }
0x8a: {  	s1 =	srdreg.scid  }
0x8b: {  	s0 =	sand.u32 $0x1, s1  }
0x8c: {  	s14 =	sshll.u32 s0, $0xA;
	s2 =	sadd.s32 s3, s2  }
0x8d: {  	s2 =	sadd.s32 s2, s14  }
0x8e: {  	[smem:$0x3FC0] =	sst s2  }
0x8f: {  	_ = 	snop  }
0x90: {  	s2 =	sld [smem:$0x3FD0];
	_ =	sdelay $0x2  }
0x91: {  	s15 =	simm.s32 $0xA;
	s4 =	simm.s32 $0x10  }
0x92: {  	[smem:s4], [sflag:s15] =	dma.local [hbm:s2], $0x1  }
0x93: {  	_ =	swait.eq [sflag:s15], $0x1  }
0x94: {  	[sflag:s15] =	ssyncset.done $0x0  }
0x95: {  	[sflag:s15] =	ssyncadd.s32 $0xFFFFFFFF  }
0x96: {  	s16 =	sld [smem:$0x10];
	(tm) =	ssettm $0x1  }
0x97: {  	s17 =	sld [smem:$0x3FFB];
	_ =	sdelay $0x3  }
0x98: {  	_ =	strace s17  }
0x99: {  	s3 =	sld [smem:$0x3FFC];
	_ =	sdelay $0x3  }
0x9a: {  	_ =	strace s3  }
0x9b: {  	s3 =	sld [smem:$0x3FFD];
	_ =	sdelay $0x3  }
0x9c: {  	_ =	strace s3  }
0x9d: {  	_ =	strace $0x8FFFFFFF  }
0x9e: {  	s18 =	sld [smem:$0x3FDB];
	_ =	sdelay $0x1  }
0x9f: {  	s19 =	simm.s32 $_scs_section_size  }
0xa0: {  	s5 =	simm.s32 $_size__tile_overlayer_lowered;
	s6 =	simm.s32 $_tile_overlayer_lowered  }
0xa1: {  	s22 =	simm.s32 $0x1BFF;
	s21 =	sshll.u32 s6, $0x1;
	s3 =	sadd.s32 s19, s18  }
0xa2: {  	s7 =	simm.s32 $0x0;
	s20 =	sshll.u32 s5, $0x1;
	s5 =	sadd.s32 s21, s3  }
0xa3: {  	[timem:s7], [sflag:s22] =	dma.local [hbm:s5], s20  }
0xa4: {  	_ =	swait.ge [sflag:s22], s20  }
0xa5: {  	s4 =	ssub.s32 $0x0, s20;
	[sflag:s22] =	ssyncset.done $0x0  }
0xa6: {  	[sflag:s22] =	ssyncadd.s32 s4;
	_ =	sdelay $0x1  }
0xa7: {  	s23 =	simm.s32 $0x1B8B  }
0xa8: {  	_ =	swait.ge [sflag:s23], $0x1  }
0xa9: {  	[sflag:s23] =	ssyncset.done $0x0  }
0xaa: {  	s25 =	simm.s32 $0x1B8E;
	s24 =	sld [smem:$0x3FFE];
	[sflag:s23] =	ssyncadd.s32 $0xFFFFFFFF  }
0xab: {  	s26 =	simm.s32 $execute0_lowered;
	[smem:$0x3FD2] =	sst s25  }
0xac: {  	s5 =	sshll.u32 s26, $0x1;
	_ =	strace $0x80000049;
	[dreg:$0x1] =	wrdreg $0xFFFFFFFF  }
0xad: {  	s28 =	simm.s32 $_size_execute0_lowered;
	s3 =	sadd.s32 s3, s5;
	[dreg:$0x0] =	wrdreg $0x0  }
0xae: {  	s5 =	sshll.u32 s28, $0x1;
	[dreg:$0x2] =	wrdreg s3  }
0xaf: {  	[dreg:$0x3] =	wrdreg s5  }
0xb0: {  	[dreg:$0x4] =	wrdreg $0xC0  }
0xb1: {  	_ =	task [dreg:s7], $0x5FFFF  }
0xb2: {  	[dreg:$0x1] =	wrdreg $0xFFFFFFFF  }
0xb3: {  	[dreg:$0x0] =	wrdreg $0x60  }
0xb4: {  	[dreg:$0x2] =	wrdreg s24  }
0xb5: {  	[dreg:$0x3] =	wrdreg s16  }
0xb6: {  	[dreg:$0x4] =	wrdreg $0x9  }
0xb7: {  	_ =	task.clear_ibuf [dreg:s7], $0x5FFFF;
	_ =	strace $0x90000049  }
0xb8: {  	s29 =	simm.s32 $0x9;
	_ =	strace $0x8000004B  }
0xb9: {  	_ =	swait.ge [sflag:s29], $0x1  }
0xba: {  	[sflag:s29] =	ssyncadd.s32 $0xFFFFFFFF  }
0xbb: {  	_ =	strace $0x9000004B  }
0xbc: {  	_ =	sfence  }
0xbd: {  	s30 =	sld [smem:$0x0];
	_ =	sdelay $0x2  }
0xbe: {  	s31 =	sshll.u32 s1, $0xD;
	s1 =	sshrl.u32 s1, $0x2  }
0xbf: {  	s3 =	sand.u32 $0x4000, s31;
	s1 =	sadd.s32 s1, s30  }
0xc0: {  	s0 =	sor.u32 s3, s0;
	s1 =	sshll.u32 s1, $0x11  }
0xc1: {  	s0 =	sor.u32 s1, s0  }
0xc2: {  	s0 =	sadd.s32 $0x8F2B, s0  }
0xc3: {  	[sflag:s0] =	ssyncadd.remote.s32 $0x1  }
0xc4: {  	_ =	sfence.sel $0xFFFF  }
0xc5: {  	[dreg:$0x0] =	wrdreg $0xFFFFFFFF;
	(pc) =	sbr.abs _section_cstart, $3  }
0xc6: {  	[dreg:$0x1] =	wrdreg $0xFFFFFFFF  }
0xc7: {  	_ =	task.clear_ibuf [dreg:s7], $0x2FFFF;
	_ =	strace $0x9FFFFFFF  }
0xc8: {  	(tm) =	ssettm $0x7FFFFFFF  }
0xc9: {  	_ =	shalt  }
tec
execute0_lowered:
.L_overlay_start_1:
0x0: {  	(tag) =	ssettag $0x1  }
0x1: {  	s1 =	srdreg.scid;
	s4 =	rddreg [dreg:$0x0]  }
0x2: {  	s0 =	stileid.u32;
	s3 =	rddreg [dreg:$0x1]  }
0x3: {  	s2 =	simm.s32 $0x0;
	s16 =	simm.s32 $0x80;
	s17 =	simm.s32 $0x900  }
0x4: {  	s18 =	simm.s32 $0xD00;
	s19 =	simm.s32 $0x1500;
	[smem:$0x7FF] =	sst s2  }
0x5: {  	s20 =	simm.s32 $0x1900;
	_ =	strace $0x8000004A;
	[dreg:$0x7] =	wrdreg s16  }
0x6: {  	s21 =	simm.s32 $0x2100;
	s23 =	simm.s32 $0x2500;
	[dreg:$0x8] =	wrdreg s17  }
0x7: {  	s24 =	simm.s32 $0x2D00;
	s25 =	simm.s32 $0x3100;
	[dreg:$0x9] =	wrdreg s18  }
0x8: {  	s26 =	simm.s32 $0x3900;
	s9 =	simm.s32 $0x4500;
	[dreg:$0xa] =	wrdreg s19  }
0x9: {  	s10 =	simm.s32 $0x4900;
	s11 =	simm.s32 $0x5100;
	[dreg:$0xb] =	wrdreg s20  }
0xa: {  	s12 =	simm.s32 $0x5500;
	s13 =	simm.s32 $0x5D00;
	[dreg:$0xc] =	wrdreg s21  }
0xb: {  	s28 =	simm.s32 $0xB100;
	s29 =	simm.s32 $0xB500;
	[dreg:$0xd] =	wrdreg s23  }
0xc: {  	s30 =	simm.s32 $0xBD00;
	s31 =	simm.s32 $0x1;
	[dreg:$0xe] =	wrdreg s24  }
0xd: {  	s1 =	sand.u32 $0x1, s1;
	s5 =	sshll.u32 s0, $0x4;
	[dreg:$0xf] =	wrdreg s25  }
0xe: {  	s6 =	sshll.u32 s1, $0x3;
	s1 =	ssub.s32 $0x2, s1;
	[dreg:$0x10] =	wrdreg s26  }
0xf: {  	s16 =	simm.s32 $0x6D00;
	s17 =	simm.s32 $0x7500;
	s18 =	simm.s32 $0x7900  }
0x10: {  	s19 =	simm.s32 $0x8100;
	s20 =	simm.s32 $0x8500;
	s21 =	simm.s32 $0x8D00  }
0x11: {  	s23 =	simm.s32 $0x9900;
	s24 =	simm.s32 $0x9D00;
	s5 =	sor.u32 s6, s5  }
0x12: {  	s25 =	simm.s32 $0xA500;
	s26 =	simm.s32 $0xA900;
	s6 =	sadd.s32 s5, s4  }
0x13: {  	s22 =	sshrl.u32 s1, $0x1;
	s5 =	smul.u32 $0x180, s5;
	s7 =	sadd.s32 $0x800, s6  }
0x14: {  	s1 =	ssub.s32 s1, s22;
	s6 =	sadd.s32 $0xA00, s6;
	[dreg:$0x3] =	wrdreg s7  }
0x15: {  	s22 =	simm.s32 $0x9100;
	s14 =	sadd.s32 s5, s4;
	[dreg:$0x4] =	wrdreg s6  }
0x16: {  	s3 =	sadd.s32 s3, s5;
	s5 =	smax.u32 s1, $0x1;
	s6 =	simm.s32 $0x3  }
0x17: {  	v2 =	vlaneseq.u32;
	s7 =	simm.s32 $0x100;
	s1 =	simm.s32 $0x2;
	[dreg:$0x5] =	wrdreg s3  }
0x18: {  	vm0 =	vmmov $0xffff;
	vm1 =	vmmov $0xff;
	v1 =	vshrl.u32 v2, $0x3;
	s15 =	sadd.s32 $0x48C00, s14;
	s3 =	sadd.s32 $0xC00, s4;
	s4 =	sadd.s32 $0xD00, s4  }
0x19: {  	v0 =	vand.u32 $0x7, v2;
	v2 =	vor.u32 $0x8, v2;
	v1 =	vmul.u32 $0x8, v1;
	s14 =	simm.s32 $0x6100;
	[dreg:$0x6] =	wrdreg s15;
	s15 =	simm.s32 $0x6900  }
.LBB2_1:
0x1a: {  	s0 =	rddreg [dreg:$0x3]  }
0x1b: {  	[tilespmem:s2], [sflag:$0x3] =	stream.linear.gather [hbm4b:s0+s2], $0x40, $0x38;
	[tilespmem:$0xC100] =	vst v63  }
0x1c: {  	_ =	swait.ge [sflag:s6], $0x40  }
0x1d: {  	s0 =	rddreg [dreg:$0x4];
	[sflag:s6] =	ssyncset.done $0x0  }
0x1e: {  	s8 =	rddreg [dreg:$0x7];
	[sflag:s6] =	ssyncadd.s32 $0xFFFFFFC0  }
0x1f: {  	[tilespmem:s8], [sflag:$0x3] =	stream.linear.gather [hbm4b:s0+s2], $0x40, $0x38;
	[tilespmem:$0xC100] =	vst v63  }
0x20: {  	_ =	swait.ge [sflag:s6], $0x40  }
0x21: {  	[sflag:s6] =	ssyncset.done $0x0  }
0x22: {  	[sflag:s6] =	ssyncadd.s32 $0xFFFFFFC0  }
0x23: {  	v3 =	vld [tilespmem:$0x0];
	_ =	sdelay $0x4  }
0x24: {  	v4 =	vshrl.u32 v3, $0x3  }
0x25: {  	v4 =	vmul.u32 $0x18, v4  }
0x26: {  	v3 =	vand.u32 $0x7, v3  }
0x27: {  	v3 =	vor.u32 v3, v4  }
0x28: {  	v4 =	vperm.xlane v3, v0;
	_ =	sdelay $0x1  }
0x29: {  	v4 =	vadd.s32 v1, v4;
	_ =	sdelay $0x1  }
0x2a: {  	v3 =	vperm.xlane v3, v2;
	_ =	sdelay $0x1  }
0x2b: {  	v3 =	vadd.s32 v1, v3  }
0x2c: {  	[tilespmem:s7], [sflag:$0x1] =	stream.indirect_vreg.gather [hbm4b:s3+s2], $0x80, v4, vm0, $0xb8;
	[tilespmem:$0xC100] =	vst v63  }
0x2d: {  	s0 =	rddreg [dreg:$0x8]  }
0x2e: {  	[tilespmem:s0], [sflag:$0x1] =	stream.indirect_vreg.gather [hbm4b:s4+s2], $0x80, v4, vm1, $0xb8;
	[tilespmem:$0xC100] =	vst v63  }
0x2f: {  	s8 =	rddreg [dreg:$0x9]  }
0x30: {  	[tilespmem:s8], [sflag:$0x1] =	stream.indirect_vreg.gather [hbm4b:s3+s2], $0x80, v3, vm0, $0xb8;
	[tilespmem:$0xC100] =	vst v63  }
0x31: {  	s0 =	rddreg [dreg:$0xa]  }
0x32: {  	[tilespmem:s0], [sflag:$0x1] =	stream.indirect_vreg.gather [hbm4b:s4+s2], $0x80, v3, vm1, $0xb8;
	[tilespmem:$0xC100] =	vst v63  }
0x33: {  	v3 =	vld [tilespmem:$0x10];
	_ =	sdelay $0x4  }
0x34: {  	v57 =	vshrl.u32 v3, $0x3  }
0x35: {  	v4 =	vmul.u32 $0x18, v57  }
0x36: {  	v3 =	vand.u32 $0x7, v3  }
0x37: {  	v3 =	vor.u32 v3, v4  }
0x38: {  	v4 =	vperm.xlane v3, v0;
	_ =	sdelay $0x1  }
0x39: {  	v4 =	vadd.s32 v1, v4;
	_ =	sdelay $0x1  }
0x3a: {  	v3 =	vperm.xlane v3, v2;
	_ =	sdelay $0x1  }
0x3b: {  	s0 =	rddreg [dreg:$0xb];
	v3 =	vadd.s32 v1, v3  }
0x3c: {  	[tilespmem:s0], [sflag:$0x1] =	stream.indirect_vreg.gather [hbm4b:s3+s2], $0x80, v4, vm0, $0xb8;
	[tilespmem:$0xC100] =	vst v63  }
0x3d: {  	s8 =	rddreg [dreg:$0xc]  }
0x3e: {  	[tilespmem:s8], [sflag:$0x1] =	stream.indirect_vreg.gather [hbm4b:s4+s2], $0x80, v4, vm1, $0xb8;
	[tilespmem:$0xC100] =	vst v63  }
0x3f: {  	s0 =	rddreg [dreg:$0xd]  }
0x40: {  	[tilespmem:s0], [sflag:$0x1] =	stream.indirect_vreg.gather [hbm4b:s3+s2], $0x80, v3, vm0, $0xb8;
	[tilespmem:$0xC100] =	vst v63  }
0x41: {  	s8 =	rddreg [dreg:$0xe]  }
0x42: {  	[tilespmem:s8], [sflag:$0x1] =	stream.indirect_vreg.gather [hbm4b:s4+s2], $0x80, v3, vm1, $0xb8;
	[tilespmem:$0xC100] =	vst v63  }
0x43: {  	v3 =	vld [tilespmem:$0x20];
	_ =	sdelay $0x4  }
0x44: {  	v58 =	vshrl.u32 v3, $0x3  }
0x45: {  	v4 =	vmul.u32 $0x18, v58  }
0x46: {  	v3 =	vand.u32 $0x7, v3  }
0x47: {  	v3 =	vor.u32 v3, v4  }
0x48: {  	v4 =	vperm.xlane v3, v0;
	_ =	sdelay $0x1  }
0x49: {  	v4 =	vadd.s32 v1, v4;
	_ =	sdelay $0x1  }
0x4a: {  	v3 =	vperm.xlane v3, v2;
	_ =	sdelay $0x1  }
0x4b: {  	s0 =	rddreg [dreg:$0xf];
	v3 =	vadd.s32 v1, v3  }
0x4c: {  	[tilespmem:s0], [sflag:$0x1] =	stream.indirect_vreg.gather [hbm4b:s3+s2], $0x80, v4, vm0, $0xb8;
	[tilespmem:$0xC100] =	vst v63  }
0x4d: {  	s8 =	rddreg [dreg:$0x10]  }
0x4e: {  	[tilespmem:s8], [sflag:$0x1] =	stream.indirect_vreg.gather [hbm4b:s4+s2], $0x80, v4, vm1, $0xb8;
	[tilespmem:$0xC100] =	vst v63  }
0x4f: {  	s8 =	simm.s32 $0x3D00  }
0x50: {  	[tilespmem:s8], [sflag:$0x1] =	stream.indirect_vreg.gather [hbm4b:s3+s2], $0x80, v3, vm0, $0xb8;
	[tilespmem:$0xC100] =	vst v63  }
0x51: {  	_ = 	snop  }
0x52: {  	[tilespmem:s9], [sflag:$0x1] =	stream.indirect_vreg.gather [hbm4b:s4+s2], $0x80, v3, vm1, $0xb8;
	[tilespmem:$0xC100] =	vst v63  }
0x53: {  	v3 =	vld [tilespmem:$0x30];
	_ =	sdelay $0x4  }
0x54: {  	v59 =	vshrl.u32 v3, $0x3  }
0x55: {  	v4 =	vmul.u32 $0x18, v59  }
0x56: {  	v3 =	vand.u32 $0x7, v3  }
0x57: {  	v3 =	vor.u32 v3, v4  }
0x58: {  	v4 =	vperm.xlane v3, v0;
	_ =	sdelay $0x1  }
0x59: {  	v4 =	vadd.s32 v1, v4;
	_ =	sdelay $0x1  }
0x5a: {  	v3 =	vperm.xlane v3, v2;
	_ =	sdelay $0x1  }
0x5b: {  	v3 =	vadd.s32 v1, v3  }
0x5c: {  	[tilespmem:s10], [sflag:$0x1] =	stream.indirect_vreg.gather [hbm4b:s3+s2], $0x80, v4, vm0, $0xb8;
	[tilespmem:$0xC100] =	vst v63  }
0x5d: {  	_ = 	snop  }
0x5e: {  	[tilespmem:s11], [sflag:$0x1] =	stream.indirect_vreg.gather [hbm4b:s4+s2], $0x80, v4, vm1, $0xb8;
	[tilespmem:$0xC100] =	vst v63  }
0x5f: {  	_ = 	snop  }
0x60: {  	[tilespmem:s12], [sflag:$0x1] =	stream.indirect_vreg.gather [hbm4b:s3+s2], $0x80, v3, vm0, $0xb8;
	[tilespmem:$0xC100] =	vst v63  }
0x61: {  	_ = 	snop  }
0x62: {  	[tilespmem:s13], [sflag:$0x1] =	stream.indirect_vreg.gather [hbm4b:s4+s2], $0x80, v3, vm1, $0xb8;
	[tilespmem:$0xC100] =	vst v63  }
0x63: {  	v3 =	vld [tilespmem:$0x80];
	_ =	sdelay $0x4  }
0x64: {  	v60 =	vshrl.u32 v3, $0x3  }
0x65: {  	v4 =	vmul.u32 $0x18, v60  }
0x66: {  	v3 =	vand.u32 $0x7, v3  }
0x67: {  	v3 =	vor.u32 v3, v4  }
0x68: {  	v4 =	vperm.xlane v3, v0;
	_ =	sdelay $0x1  }
0x69: {  	v4 =	vadd.s32 v1, v4;
	_ =	sdelay $0x1  }
0x6a: {  	v3 =	vperm.xlane v3, v2;
	_ =	sdelay $0x1  }
0x6b: {  	v3 =	vadd.s32 v1, v3  }
0x6c: {  	[tilespmem:s14], [sflag:$0x2] =	stream.indirect_vreg.gather [hbm4b:s3+s2], $0x80, v4, vm0, $0xb8;
	[tilespmem:$0xC100] =	vst v63  }
0x6d: {  	_ = 	snop  }
0x6e: {  	[tilespmem:s15], [sflag:$0x2] =	stream.indirect_vreg.gather [hbm4b:s4+s2], $0x80, v4, vm1, $0xb8;
	[tilespmem:$0xC100] =	vst v63  }
0x6f: {  	_ = 	snop  }
0x70: {  	[tilespmem:s16], [sflag:$0x2] =	stream.indirect_vreg.gather [hbm4b:s3+s2], $0x80, v3, vm0, $0xb8;
	[tilespmem:$0xC100] =	vst v63  }
0x71: {  	_ = 	snop  }
0x72: {  	[tilespmem:s17], [sflag:$0x2] =	stream.indirect_vreg.gather [hbm4b:s4+s2], $0x80, v3, vm1, $0xb8;
	[tilespmem:$0xC100] =	vst v63  }
0x73: {  	v3 =	vld [tilespmem:$0x90];
	_ =	sdelay $0x4  }
0x74: {  	v61 =	vshrl.u32 v3, $0x3  }
0x75: {  	v4 =	vmul.u32 $0x18, v61  }
0x76: {  	v3 =	vand.u32 $0x7, v3  }
0x77: {  	v3 =	vor.u32 v3, v4  }
0x78: {  	v4 =	vperm.xlane v3, v0;
	_ =	sdelay $0x1  }
0x79: {  	v4 =	vadd.s32 v1, v4;
	_ =	sdelay $0x1  }
0x7a: {  	v3 =	vperm.xlane v3, v2;
	_ =	sdelay $0x1  }
0x7b: {  	v3 =	vadd.s32 v1, v3  }
0x7c: {  	[tilespmem:s18], [sflag:$0x2] =	stream.indirect_vreg.gather [hbm4b:s3+s2], $0x80, v4, vm0, $0xb8;
	[tilespmem:$0xC100] =	vst v63  }
0x7d: {  	_ = 	snop  }
0x7e: {  	[tilespmem:s19], [sflag:$0x2] =	stream.indirect_vreg.gather [hbm4b:s4+s2], $0x80, v4, vm1, $0xb8;
	[tilespmem:$0xC100] =	vst v63  }
0x7f: {  	_ = 	snop  }
0x80: {  	[tilespmem:s20], [sflag:$0x2] =	stream.indirect_vreg.gather [hbm4b:s3+s2], $0x80, v3, vm0, $0xb8;
	[tilespmem:$0xC100] =	vst v63  }
0x81: {  	_ = 	snop  }
0x82: {  	[tilespmem:s21], [sflag:$0x2] =	stream.indirect_vreg.gather [hbm4b:s4+s2], $0x80, v3, vm1, $0xb8;
	[tilespmem:$0xC100] =	vst v63  }
0x83: {  	v3 =	vld [tilespmem:$0xA0];
	_ =	sdelay $0x4  }
0x84: {  	v62 =	vshrl.u32 v3, $0x3  }
0x85: {  	v4 =	vmul.u32 $0x18, v62  }
0x86: {  	v3 =	vand.u32 $0x7, v3  }
0x87: {  	v3 =	vor.u32 v3, v4  }
0x88: {  	v4 =	vperm.xlane v3, v0;
	_ =	sdelay $0x1  }
0x89: {  	v4 =	vadd.s32 v1, v4;
	_ =	sdelay $0x1  }
0x8a: {  	v3 =	vperm.xlane v3, v2;
	_ =	sdelay $0x1  }
0x8b: {  	v3 =	vadd.s32 v1, v3  }
0x8c: {  	[tilespmem:s22], [sflag:$0x2] =	stream.indirect_vreg.gather [hbm4b:s3+s2], $0x80, v4, vm0, $0xb8;
	[tilespmem:$0xC100] =	vst v63  }
0x8d: {  	_ = 	snop  }
0x8e: {  	[tilespmem:s23], [sflag:$0x2] =	stream.indirect_vreg.gather [hbm4b:s4+s2], $0x80, v4, vm1, $0xb8;
	[tilespmem:$0xC100] =	vst v63  }
0x8f: {  	_ = 	snop  }
0x90: {  	[tilespmem:s24], [sflag:$0x2] =	stream.indirect_vreg.gather [hbm4b:s3+s2], $0x80, v3, vm0, $0xb8;
	[tilespmem:$0xC100] =	vst v63  }
0x91: {  	_ = 	snop  }
0x92: {  	[tilespmem:s25], [sflag:$0x2] =	stream.indirect_vreg.gather [hbm4b:s4+s2], $0x80, v3, vm1, $0xb8;
	[tilespmem:$0xC100] =	vst v63  }
0x93: {  	v3 =	vld [tilespmem:$0xB0];
	_ =	sdelay $0x4  }
0x94: {  	v63 =	vshrl.u32 v3, $0x3  }
0x95: {  	v4 =	vmul.u32 $0x18, v63  }
0x96: {  	v3 =	vand.u32 $0x7, v3  }
0x97: {  	v3 =	vor.u32 v3, v4  }
0x98: {  	v4 =	vperm.xlane v3, v0;
	_ =	sdelay $0x1  }
0x99: {  	v4 =	vadd.s32 v1, v4;
	_ =	sdelay $0x1  }
0x9a: {  	v3 =	vperm.xlane v3, v2;
	_ =	sdelay $0x1  }
0x9b: {  	v3 =	vadd.s32 v1, v3  }
0x9c: {  	[tilespmem:s26], [sflag:$0x2] =	stream.indirect_vreg.gather [hbm4b:s3+s2], $0x80, v4, vm0, $0xb8;
	[tilespmem:$0xC100] =	vst v63  }
0x9d: {  	_ = 	snop  }
0x9e: {  	[tilespmem:s28], [sflag:$0x2] =	stream.indirect_vreg.gather [hbm4b:s4+s2], $0x80, v4, vm1, $0xb8;
	[tilespmem:$0xC100] =	vst v63  }
0x9f: {  	_ = 	snop  }
0xa0: {  	[tilespmem:s29], [sflag:$0x2] =	stream.indirect_vreg.gather [hbm4b:s3+s2], $0x80, v3, vm0, $0xb8;
	[tilespmem:$0xC100] =	vst v63  }
0xa1: {  	_ = 	snop  }
0xa2: {  	[tilespmem:s30], [sflag:$0x2] =	stream.indirect_vreg.gather [hbm4b:s4+s2], $0x80, v3, vm1, $0xb8;
	[tilespmem:$0xC100] =	vst v63  }
0xa3: {  	_ =	swait.ge [sflag:s31], $0x6000  }
0xa4: {  	[sflag:s31] =	ssyncset.done $0x0  }
0xa5: {  	[sflag:s31] =	ssyncadd.s32 $0xFFFFA000  }
0xa6: {  	_ =	swait.ge [sflag:s1], $0x6000  }
0xa7: {  	[sflag:s1] =	ssyncset.done $0x0  }
0xa8: {  	s8 =	rddreg [dreg:$0x5];
	[sflag:s1] =	ssyncadd.s32 $0xFFFFA000  }
0xa9: {  	[hbm4b:s8+s2] =	stream.linear.scatter [tilespmem:s7], [sflag:$0x3], $0x6000, $0x38;
	[tilespmem:$0xC100] =	vst v63  }
0xaa: {  	_ =	swait.ge [sflag:s6], $0x6000  }
0xab: {  	p0 =	sne.s32 s5, $0x1;
	[sflag:s6] =	ssyncset.done $0x0  }
.Ltmp0:
0xac: {  	s8 =	rddreg [dreg:$0x6];
	[sflag:s6] =	ssyncadd.s32 $0xFFFFA000;
	(pc) =	sbr.rel @p0 .LBB2_1-.Ltmp0, $4  }
0xad: {  	[hbm4b:s8+s2] =	stream.linear.scatter [tilespmem:s14], [sflag:$0x3], $0x6000, $0x38;
	[tilespmem:$0xC100] =	vst v63  }
0xae: {  	_ =	swait.ge [sflag:s6], $0x6000  }
0xaf: {  	[sflag:s6] =	ssyncset.done $0x0  }
0xb0: {  	s5 =	sadd.s32 $0xFFFFFFFF, s5;
	[sflag:s6] =	ssyncadd.s32 $0xFFFFA000  }
0xb1: {  	_ =	sfence.sel $0x180000  }
0xb2: {  	[bflag:$0x0] =	sbarrier.arrive $0xFFFF  }
0xb3: {  	_ =	strace $0x9000004A  }
0xb4: {  	s0 =	stileid.u32;
	[bflag:$0x2] =	sbarrier.arrive $0xFFFF  }
0xb5: {  	p0 =	sne.s32 s0, $0x0;
	s0 =	rddreg [dreg:$0x2]  }
0xb6: {  	s0 =	sadd.s32 @!p0 $0x100000, s0  }
0xb7: {  	[sflag:s0] =	ssyncadd.tile.s32 @!p0 $0x1;
	_ =	shalt  }
.Lfunc_end2:
_tile_overlayer_lowered:
.L_overlay_start_2:
0xb8: {  	(tag) =	ssettag $0x2  }
0xb9: {  	s0 =	rddreg [dreg:$0x0];
	s2 =	stileid.u32  }
0xba: {  	s1 =	rddreg [dreg:$0x1];
	p0 =	sne.s32 s2, $0x0  }
0xbb: {  	s3 =	rddreg [dreg:$0x2];
	[bflag:$0x3] =	sbarrier.arrive $0xFFFF;
	s2 =	simm.s32 @!p0 $0x1C03  }
0xbc: {  	[timem:s3], [sflag:s2] =	dma.local @!p0 [hbm:s0], s1  }
0xbd: {  	s0 =	simm.s32 @!p0 $0x3  }
0xbe: {  	_ =	swait.ge @!p0 [sflag:s0], s1  }
0xbf: {  	s1 =	ssub.s32 @!p0 $0x0, s1;
	[sflag:s0] =	ssyncset.done @!p0 $0x0  }
0xc0: {  	[sflag:s0] =	ssyncadd.s32 @!p0 s1  }
0xc1: {  	[bflag:$0x3] =	sbarrier.arrive $0xFFFF  }
0xc2: {  	_ =	shalt  }

// kernel: kernel.7.cloned.1.call-start
scs
__scs_entry_jumppad:
0x0: {  	(pc) =	sbr.rel $0x88, $3  }
0x1: {  	(tag) =	ssettag $0x0;
	lr =	simm.s32 $0x1  }
0x2: {  	[smem:$0x3F99] =	sst lr;
	_ =	strace $0xD0000000  }
0x3: {  	_ = 	snop  }
0x4: {  	_ = 	snop  }
0x5: {  	_ = 	snop  }
0x6: {  	_ = 	snop  }
0x7: {  	_ = 	snop  }
__scs_overlays_trampoline_lowered:
0x8: {  	[smem:$0x3FA8] =	sst s0  }
0x9: {  	[smem:$0x3FA9] =	sst s1  }
0xa: {  	[smem:$0x3FAA] =	sst s2  }
0xb: {  	[smem:$0x3FAB] =	sst s3  }
0xc: {  	[smem:$0x3FAC] =	sst s4  }
0xd: {  	[smem:$0x3FAD] =	sst s5  }
0xe: {  	[smem:$0x3FAE] =	sst s6  }
0xf: {  	[smem:$0x3FAF] =	sst s7  }
0x10: {  	[smem:$0x3FB0] =	sst s8  }
0x11: {  	[smem:$0x3FB1] =	sst s9;
	s0 =	simm.s32 @!p0 $0x0  }
0x12: {  	s1 =	sld [smem:$0x3F97];
	s0 =	simm.s32 @p0 $0x1  }
0x13: {  	[smem:$0x3FB2] =	sst s0;
	s0 =	simm.s32 @!p1 $0x0  }
0x14: {  	s2 =	sld [smem:$0x3F96];
	s0 =	simm.s32 @p1 $0x1  }
0x15: {  	[smem:$0x3FB3] =	sst s0;
	s0 =	simm.s32 @!p2 $0x0  }
0x16: {  	s3 =	sld [smem:$0x3FDB];
	s0 =	simm.s32 @p2 $0x1  }
0x17: {  	s4 =	simm.s32 $0x1BF5;
	[smem:$0x3FB5] =	sst s0  }
0x18: {  	s0 =	sld [smem:$0x3F98];
	_ =	swait.ge [sflag:s4], $0x0  }
0x19: {  	s7 =	sld [smem:$0x3F99]  }
0x1a: {  	s8 =	sadd.s32 $0xFFFFE003, lr  }
0x1b: {  	s9 =	sadd.s32 $0xFFFFFEF7, lr;
	s5 =	simm.s32 $0xFFFFFFFF;
	p2 =	slt.u32 s8, $0xFFFFF086  }
0x1c: {  	p1 =	slt.u32 s9, $0xF7A;
	s5 =	simm.s32 @!p2 $0x0  }
0x1d: {  	s5 =	simm.s32 @p1 $0x1;
	p0 =	seq.s32 s7, s2  }
0x1e: {  	s7 =	smul.u32 @!p0 $0xF7A, s2;
	p2 =	seq.s32 @!p0 s5, $0x0  }
0x1f: {  	s9 =	smul.u32 $0xF7A, s1;
	s8 =	simm.s32 @!p0 $0x1BF5;
	p2 =	por !p2, p0  }
0x20: {  	[sflag:s8] =	ssyncset.s32 @!p0 $0xFFFFF086;
	s6 =	sadd.s32 @!p0 s3, s7;
	s7 =	simm.s32 @!p0 $0x108  }
0x21: {  	s3 =	sadd.s32 s3, s9;
	s6 =	sadd.s32 @!p0 $0x88, s6;
	s7 =	simm.s32 @p2 $0x1082  }
0x22: {  	[simem:s7], [sflag:s8] =	dma.local @!p0 [hbm:s6], $0xF7A  }
0x23: {  	s9 =	sor.u32 $0xD0000000, s2;
	s6 =	simm.s32 $0x108;
	_ =	swait.ge @!p0 [sflag:s8], $0x0  }
0x24: {  	s3 =	sadd.s32 $0x88, s3;
	s6 =	simm.s32 @!p1 $0x1082;
	[sflag:s4] =	ssyncset.s32 $0xFFFFF086  }
0x25: {  	[simem:s6], [sflag:s4] =	dma.local [hbm:s3], $0xF7A  }
0x26: {  	[smem:$0x3F99] =	sst s1;
	(tag) =	ssettag s2;
	_ =	strace s9  }
0x27: {  	s1 =	sld [smem:$0x3FA9]  }
0x28: {  	s2 =	sld [smem:$0x3FAA]  }
0x29: {  	s4 =	sld [smem:$0x3FAC]  }
0x2a: {  	p0 =	seq.s32 s5, $0x0;
	s5 =	sld [smem:$0x3FAD]  }
0x2b: {  	s6 =	sld [smem:$0x3FAE]  }
0x2c: {  	s7 =	sld [smem:$0x3FAF]  }
0x2d: {  	s3 =	simm.s32 $0x108;
	s8 =	sld [smem:$0x3FB0]  }
0x2e: {  	s3 =	simm.s32 @!p0 $0x1082;
	s9 =	sld [smem:$0x3FB1]  }
0x2f: {  	lr =	sadd.s32 s0, s3;
	s0 =	sld [smem:$0x3FA8]  }
0x30: {  	s3 =	sld [smem:$0x3FAB]  }
0x31: {  	[smem:$0x3FB4] =	sst s10  }
0x32: {  	s10 =	sld [smem:$0x3FB2];
	_ =	sdelay $0x3  }
0x33: {  	p0 =	seq.s32 s10, $0x1;
	s10 =	sld [smem:$0x3FB4];
	_ =	sdelay $0x3  }
0x34: {  	[smem:$0x3FB4] =	sst s10  }
0x35: {  	s10 =	sld [smem:$0x3FB3];
	_ =	sdelay $0x3  }
0x36: {  	p1 =	seq.s32 s10, $0x1;
	s10 =	sld [smem:$0x3FB4];
	_ =	sdelay $0x3  }
0x37: {  	[smem:$0x3FB4] =	sst s10  }
0x38: {  	s10 =	sld [smem:$0x3FB5]  }
0x39: {  	_ = 	snop;
	(pc) =	sbr.ind lr, $3  }
0x3a: {  	_ = 	snop  }
0x3b: {  	_ = 	snop  }
0x3c: {  	p2 =	seq.s32 s10, $0x1;
	s10 =	sld [smem:$0x3FB4]  }
0x3d: {  	_ =	shalt  }
0x3e: {  	_ =	shalt  }
0x3f: {  	_ =	shalt  }
0x40: {  	_ =	shalt  }
0x41: {  	_ =	shalt  }
0x42: {  	_ =	shalt  }
0x43: {  	_ =	shalt  }
0x44: {  	_ =	shalt  }
0x45: {  	_ =	shalt  }
0x46: {  	_ =	shalt  }
0x47: {  	_ =	shalt  }
0x48: {  	_ =	shalt  }
0x49: {  	_ =	shalt  }
0x4a: {  	_ =	shalt  }
0x4b: {  	_ =	shalt  }
0x4c: {  	_ =	shalt  }
0x4d: {  	_ =	shalt  }
0x4e: {  	_ =	shalt  }
0x4f: {  	_ =	shalt  }
0x50: {  	_ =	shalt  }
0x51: {  	_ =	shalt  }
0x52: {  	_ =	shalt  }
0x53: {  	_ =	shalt  }
0x54: {  	_ =	shalt  }
0x55: {  	_ =	shalt  }
0x56: {  	_ =	shalt  }
0x57: {  	_ =	shalt  }
0x58: {  	_ =	shalt  }
0x59: {  	_ =	shalt  }
0x5a: {  	_ =	shalt  }
0x5b: {  	_ =	shalt  }
0x5c: {  	_ =	shalt  }
0x5d: {  	_ =	shalt  }
0x5e: {  	_ =	shalt  }
0x5f: {  	_ =	shalt  }
0x60: {  	_ =	shalt  }
0x61: {  	_ =	shalt  }
0x62: {  	_ =	shalt  }
0x63: {  	_ =	shalt  }
0x64: {  	_ =	shalt  }
0x65: {  	_ =	shalt  }
0x66: {  	_ =	shalt  }
0x67: {  	_ =	shalt  }
0x68: {  	_ =	shalt  }
0x69: {  	_ =	shalt  }
0x6a: {  	_ =	shalt  }
0x6b: {  	_ =	shalt  }
0x6c: {  	_ =	shalt  }
0x6d: {  	_ =	shalt  }
0x6e: {  	_ =	shalt  }
0x6f: {  	_ =	shalt  }
0x70: {  	_ =	shalt  }
0x71: {  	_ =	shalt  }
0x72: {  	_ =	shalt  }
0x73: {  	_ =	shalt  }
0x74: {  	_ =	shalt  }
0x75: {  	_ =	shalt  }
0x76: {  	_ =	shalt  }
0x77: {  	_ =	shalt  }
0x78: {  	_ =	shalt  }
0x79: {  	_ =	shalt  }
0x7a: {  	_ =	shalt  }
0x7b: {  	_ =	shalt  }
0x7c: {  	_ =	shalt  }
0x7d: {  	_ =	shalt  }
0x7e: {  	_ =	shalt  }
0x7f: {  	_ =	shalt  }
0x80: {  	_ =	shalt  }
0x81: {  	_ =	shalt  }
0x82: {  	_ =	shalt  }
0x83: {  	_ =	shalt  }
0x84: {  	_ =	shalt  }
0x85: {  	_ =	shalt  }
0x86: {  	_ =	shalt  }
0x87: {  	_ =	shalt  }
.Lfunc_end0:
.L_simem_size_0:
called_computation_lowered:
.L_overlay_start_0:
0x88: {  	s2 =	sld [smem:$0x3FD9]  }
0x89: {  	s3 =	sld [smem:$0x3FFE];
	_ =	sdelay $0x1  }
0x8a: {  	s1 =	srdreg.scid  }
0x8b: {  	s0 =	sand.u32 $0x1, s1  }
0x8c: {  	s14 =	sshll.u32 s0, $0xA;
	s2 =	sadd.s32 s3, s2  }
0x8d: {  	s2 =	sadd.s32 s2, s14  }
0x8e: {  	[smem:$0x3FC0] =	sst s2  }
0x8f: {  	_ = 	snop  }
0x90: {  	s2 =	sld [smem:$0x3FD0];
	_ =	sdelay $0x2  }
0x91: {  	s15 =	simm.s32 $0xA;
	s4 =	simm.s32 $0x10  }
0x92: {  	[smem:s4], [sflag:s15] =	dma.local [hbm:s2], $0x1  }
0x93: {  	_ =	swait.eq [sflag:s15], $0x1  }
0x94: {  	[sflag:s15] =	ssyncset.done $0x0  }
0x95: {  	[sflag:s15] =	ssyncadd.s32 $0xFFFFFFFF  }
0x96: {  	s16 =	sld [smem:$0x10];
	(tm) =	ssettm $0x1  }
0x97: {  	s17 =	sld [smem:$0x3FFB];
	_ =	sdelay $0x3  }
0x98: {  	_ =	strace s17  }
0x99: {  	s3 =	sld [smem:$0x3FFC];
	_ =	sdelay $0x3  }
0x9a: {  	_ =	strace s3  }
0x9b: {  	s3 =	sld [smem:$0x3FFD];
	_ =	sdelay $0x3  }
0x9c: {  	_ =	strace s3  }
0x9d: {  	_ =	strace $0x8FFFFFFF  }
0x9e: {  	s18 =	sld [smem:$0x3FDB];
	_ =	sdelay $0x1  }
0x9f: {  	s19 =	simm.s32 $_scs_section_size  }
0xa0: {  	s5 =	simm.s32 $_size__tile_overlayer_lowered;
	s6 =	simm.s32 $_tile_overlayer_lowered  }
0xa1: {  	s22 =	simm.s32 $0x1BFF;
	s21 =	sshll.u32 s6, $0x1;
	s3 =	sadd.s32 s19, s18  }
0xa2: {  	s7 =	simm.s32 $0x0;
	s20 =	sshll.u32 s5, $0x1;
	s5 =	sadd.s32 s21, s3  }
0xa3: {  	[timem:s7], [sflag:s22] =	dma.local [hbm:s5], s20  }
0xa4: {  	_ =	swait.ge [sflag:s22], s20  }
0xa5: {  	s4 =	ssub.s32 $0x0, s20;
	[sflag:s22] =	ssyncset.done $0x0  }
0xa6: {  	[sflag:s22] =	ssyncadd.s32 s4;
	_ =	sdelay $0x1  }
0xa7: {  	s23 =	simm.s32 $0x1B8B  }
0xa8: {  	_ =	swait.ge [sflag:s23], $0x1  }
0xa9: {  	[sflag:s23] =	ssyncset.done $0x0  }
0xaa: {  	s25 =	simm.s32 $0x1B8E;
	s24 =	sld [smem:$0x3FFE];
	[sflag:s23] =	ssyncadd.s32 $0xFFFFFFFF  }
0xab: {  	s26 =	simm.s32 $execute0_lowered;
	[smem:$0x3FD2] =	sst s25  }
0xac: {  	s5 =	sshll.u32 s26, $0x1;
	_ =	strace $0x80000046;
	[dreg:$0x1] =	wrdreg $0xFFFFFFFF  }
0xad: {  	s28 =	simm.s32 $_size_execute0_lowered;
	s3 =	sadd.s32 s3, s5;
	[dreg:$0x0] =	wrdreg $0x0  }
0xae: {  	s5 =	sshll.u32 s28, $0x1;
	[dreg:$0x2] =	wrdreg s3  }
0xaf: {  	[dreg:$0x3] =	wrdreg s5  }
0xb0: {  	[dreg:$0x4] =	wrdreg $0xC0  }
0xb1: {  	_ =	task [dreg:s7], $0x5FFFF  }
0xb2: {  	[dreg:$0x1] =	wrdreg $0xFFFFFFFF  }
0xb3: {  	[dreg:$0x0] =	wrdreg $0x60  }
0xb4: {  	[dreg:$0x2] =	wrdreg s16  }
0xb5: {  	[dreg:$0x3] =	wrdreg s24  }
0xb6: {  	[dreg:$0x4] =	wrdreg $0x9  }
0xb7: {  	_ =	task.clear_ibuf [dreg:s7], $0x5FFFF;
	_ =	strace $0x90000046  }
0xb8: {  	s29 =	simm.s32 $0x9;
	_ =	strace $0x80000048  }
0xb9: {  	_ =	swait.ge [sflag:s29], $0x1  }
0xba: {  	[sflag:s29] =	ssyncadd.s32 $0xFFFFFFFF  }
0xbb: {  	_ =	strace $0x90000048  }
0xbc: {  	_ =	sfence  }
0xbd: {  	s30 =	sld [smem:$0x0];
	_ =	sdelay $0x2  }
0xbe: {  	s31 =	sshll.u32 s1, $0xD;
	s1 =	sshrl.u32 s1, $0x2  }
0xbf: {  	s3 =	sand.u32 $0x4000, s31;
	s1 =	sadd.s32 s1, s30  }
0xc0: {  	s0 =	sor.u32 s3, s0;
	s1 =	sshll.u32 s1, $0x11  }
0xc1: {  	s0 =	sor.u32 s1, s0  }
0xc2: {  	s0 =	sadd.s32 $0x8F2B, s0  }
0xc3: {  	[sflag:s0] =	ssyncadd.remote.s32 $0x1  }
0xc4: {  	_ =	sfence.sel $0xFFFF  }
0xc5: {  	[dreg:$0x0] =	wrdreg $0xFFFFFFFF;
	(pc) =	sbr.abs _section_cstart, $3  }
0xc6: {  	[dreg:$0x1] =	wrdreg $0xFFFFFFFF  }
0xc7: {  	_ =	task.clear_ibuf [dreg:s7], $0x2FFFF;
	_ =	strace $0x9FFFFFFF  }
0xc8: {  	(tm) =	ssettm $0x7FFFFFFF  }
0xc9: {  	_ =	shalt  }
tec
execute0_lowered:
.L_overlay_start_1:
0x0: {  	(tag) =	ssettag $0x1  }
0x1: {  	s6 =	rddreg [dreg:$0x0]  }
0x2: {  	s7 =	rddreg [dreg:$0x1]  }
0x3: {  	s0 =	rddreg [dreg:$0x2];
	s3 =	srdreg.scid  }
0x4: {  	s2 =	simm.s32 $0x0;
	s1 =	stileid.u32;
	s11 =	simm.s32 $0x100  }
0x5: {  	s12 =	simm.s32 $0x900;
	s13 =	simm.s32 $0xD00;
	s14 =	simm.s32 $0x1500  }
0x6: {  	s15 =	simm.s32 $0x1900;
	s16 =	simm.s32 $0x2100;
	s17 =	simm.s32 $0x2500  }
0x7: {  	s18 =	simm.s32 $0x2D00;
	s19 =	simm.s32 $0x3100;
	s20 =	simm.s32 $0x3900  }
0x8: {  	s21 =	simm.s32 $0x3D00;
	s22 =	simm.s32 $0x4500;
	s23 =	simm.s32 $0x4900  }
0x9: {  	s24 =	simm.s32 $0x5100;
	s25 =	simm.s32 $0x5500;
	s26 =	simm.s32 $0x5D00  }
0xa: {  	s28 =	simm.s32 $0x1;
	s29 =	simm.s32 $0x2;
	s3 =	sand.u32 $0x1, s3  }
0xb: {  	[smem:$0x7FF] =	sst s2;
	s4 =	sshll.u32 s1, $0x4;
	s5 =	sshll.u32 s3, $0x3  }
0xc: {  	_ =	strace $0x80000047;
	s31 =	ssub.s32 $0x2, s3;
	s4 =	sor.u32 s5, s4  }
0xd: {  	s3 =	sadd.s32 $0xC00, s7;
	s9 =	sshrl.u32 s31, $0x1;
	s8 =	sadd.s32 s4, s7  }
0xe: {  	v2 =	vlaneseq.u32;
	s10 =	smul.u32 $0x180, s4;
	s9 =	ssub.s32 s31, s9;
	s7 =	sadd.s32 $0xD00, s7  }
0xf: {  	vm0 =	vmmov $0xffff;
	vm1 =	vmmov $0xff;
	v1 =	vshrl.u32 v2, $0x3;
	s4 =	sadd.s32 $0x800, s8;
	s5 =	sadd.s32 $0xA00, s8;
	s8 =	smax.u32 s9, $0x1  }
0x10: {  	v0 =	vand.u32 $0x7, v2;
	v2 =	vor.u32 $0x8, v2;
	v1 =	vmul.u32 $0x8, v1;
	s9 =	simm.s32 $0x3;
	s6 =	sadd.s32 s6, s10;
	s10 =	simm.s32 $0x80  }
.LBB2_1:
0x11: {  	[tilespmem:s2], [sflag:$0x3] =	stream.linear.gather [hbm4b:s4+s2], $0x40, $0x38;
	[tilespmem:$0x6100] =	vst v63  }
0x12: {  	_ =	swait.ge [sflag:s9], $0x40  }
0x13: {  	[sflag:s9] =	ssyncset.done $0x0  }
0x14: {  	[sflag:s9] =	ssyncadd.s32 $0xFFFFFFC0  }
0x15: {  	[tilespmem:s10], [sflag:$0x3] =	stream.linear.gather [hbm4b:s5+s2], $0x40, $0x38;
	[tilespmem:$0x6100] =	vst v63  }
0x16: {  	_ =	swait.ge [sflag:s9], $0x40  }
0x17: {  	[sflag:s9] =	ssyncset.done $0x0  }
0x18: {  	[sflag:s9] =	ssyncadd.s32 $0xFFFFFFC0  }
0x19: {  	[tilespmem:s11], [sflag:$0x3] =	stream.linear.gather [hbm4b:s6+s2], $0x6000, $0x38;
	[tilespmem:$0x6100] =	vst v63  }
0x1a: {  	_ =	swait.ge [sflag:s9], $0x6000  }
0x1b: {  	[sflag:s9] =	ssyncset.done $0x0  }
0x1c: {  	[sflag:s9] =	ssyncadd.s32 $0xFFFFA000  }
0x1d: {  	v3 =	vld [tilespmem:$0x0];
	_ =	sdelay $0x4  }
0x1e: {  	v4 =	vshrl.u32 v3, $0x3  }
0x1f: {  	v4 =	vmul.u32 $0x18, v4  }
0x20: {  	v3 =	vand.u32 $0x7, v3  }
0x21: {  	v3 =	vor.u32 v3, v4  }
0x22: {  	v4 =	vperm.xlane v3, v0;
	_ =	sdelay $0x1  }
0x23: {  	v4 =	vadd.s32 v1, v4;
	_ =	sdelay $0x1  }
0x24: {  	v3 =	vperm.xlane v3, v2;
	_ =	sdelay $0x1  }
0x25: {  	v3 =	vadd.s32 v1, v3  }
0x26: {  	[hbm4b:s3+s2] =	stream.indirect_vreg.scatter [tilespmem:s11], [sflag:$0x1], $0x80, v4, vm0, $0xb8;
	[tilespmem:$0x6100] =	vst v63  }
0x27: {  	_ = 	snop  }
0x28: {  	[hbm4b:s7+s2] =	stream.indirect_vreg.scatter [tilespmem:s12], [sflag:$0x1], $0x80, v4, vm1, $0xb8;
	[tilespmem:$0x6100] =	vst v63  }
0x29: {  	_ = 	snop  }
0x2a: {  	[hbm4b:s3+s2] =	stream.indirect_vreg.scatter [tilespmem:s13], [sflag:$0x1], $0x80, v3, vm0, $0xb8;
	[tilespmem:$0x6100] =	vst v63  }
0x2b: {  	_ = 	snop  }
0x2c: {  	[hbm4b:s7+s2] =	stream.indirect_vreg.scatter [tilespmem:s14], [sflag:$0x1], $0x80, v3, vm1, $0xb8;
	[tilespmem:$0x6100] =	vst v63  }
0x2d: {  	v3 =	vld [tilespmem:$0x10];
	_ =	sdelay $0x4  }
0x2e: {  	v57 =	vshrl.u32 v3, $0x3  }
0x2f: {  	v4 =	vmul.u32 $0x18, v57  }
0x30: {  	v3 =	vand.u32 $0x7, v3  }
0x31: {  	v3 =	vor.u32 v3, v4  }
0x32: {  	v4 =	vperm.xlane v3, v0;
	_ =	sdelay $0x1  }
0x33: {  	v4 =	vadd.s32 v1, v4;
	_ =	sdelay $0x1  }
0x34: {  	v3 =	vperm.xlane v3, v2;
	_ =	sdelay $0x1  }
0x35: {  	v3 =	vadd.s32 v1, v3  }
0x36: {  	[hbm4b:s3+s2] =	stream.indirect_vreg.scatter [tilespmem:s15], [sflag:$0x1], $0x80, v4, vm0, $0xb8;
	[tilespmem:$0x6100] =	vst v63  }
0x37: {  	_ = 	snop  }
0x38: {  	[hbm4b:s7+s2] =	stream.indirect_vreg.scatter [tilespmem:s16], [sflag:$0x1], $0x80, v4, vm1, $0xb8;
	[tilespmem:$0x6100] =	vst v63  }
0x39: {  	_ = 	snop  }
0x3a: {  	[hbm4b:s3+s2] =	stream.indirect_vreg.scatter [tilespmem:s17], [sflag:$0x1], $0x80, v3, vm0, $0xb8;
	[tilespmem:$0x6100] =	vst v63  }
0x3b: {  	_ = 	snop  }
0x3c: {  	[hbm4b:s7+s2] =	stream.indirect_vreg.scatter [tilespmem:s18], [sflag:$0x1], $0x80, v3, vm1, $0xb8;
	[tilespmem:$0x6100] =	vst v63  }
0x3d: {  	v3 =	vld [tilespmem:$0x20];
	_ =	sdelay $0x4  }
0x3e: {  	v58 =	vshrl.u32 v3, $0x3  }
0x3f: {  	v4 =	vmul.u32 $0x18, v58  }
0x40: {  	v3 =	vand.u32 $0x7, v3  }
0x41: {  	v3 =	vor.u32 v3, v4  }
0x42: {  	v4 =	vperm.xlane v3, v0;
	_ =	sdelay $0x1  }
0x43: {  	v4 =	vadd.s32 v1, v4;
	_ =	sdelay $0x1  }
0x44: {  	v3 =	vperm.xlane v3, v2;
	_ =	sdelay $0x1  }
0x45: {  	v3 =	vadd.s32 v1, v3  }
0x46: {  	[hbm4b:s3+s2] =	stream.indirect_vreg.scatter [tilespmem:s19], [sflag:$0x1], $0x80, v4, vm0, $0xb8;
	[tilespmem:$0x6100] =	vst v63  }
0x47: {  	_ = 	snop  }
0x48: {  	[hbm4b:s7+s2] =	stream.indirect_vreg.scatter [tilespmem:s20], [sflag:$0x1], $0x80, v4, vm1, $0xb8;
	[tilespmem:$0x6100] =	vst v63  }
0x49: {  	_ = 	snop  }
0x4a: {  	[hbm4b:s3+s2] =	stream.indirect_vreg.scatter [tilespmem:s21], [sflag:$0x1], $0x80, v3, vm0, $0xb8;
	[tilespmem:$0x6100] =	vst v63  }
0x4b: {  	_ = 	snop  }
0x4c: {  	[hbm4b:s7+s2] =	stream.indirect_vreg.scatter [tilespmem:s22], [sflag:$0x1], $0x80, v3, vm1, $0xb8;
	[tilespmem:$0x6100] =	vst v63  }
0x4d: {  	v3 =	vld [tilespmem:$0x30];
	_ =	sdelay $0x4  }
0x4e: {  	v59 =	vshrl.u32 v3, $0x3  }
0x4f: {  	v4 =	vmul.u32 $0x18, v59  }
0x50: {  	v3 =	vand.u32 $0x7, v3  }
0x51: {  	v3 =	vor.u32 v3, v4  }
0x52: {  	v4 =	vperm.xlane v3, v0;
	_ =	sdelay $0x1  }
0x53: {  	v4 =	vadd.s32 v1, v4;
	_ =	sdelay $0x1  }
0x54: {  	v3 =	vperm.xlane v3, v2;
	_ =	sdelay $0x1  }
0x55: {  	v3 =	vadd.s32 v1, v3  }
0x56: {  	[hbm4b:s3+s2] =	stream.indirect_vreg.scatter [tilespmem:s23], [sflag:$0x1], $0x80, v4, vm0, $0xb8;
	[tilespmem:$0x6100] =	vst v63  }
0x57: {  	_ = 	snop  }
0x58: {  	[hbm4b:s7+s2] =	stream.indirect_vreg.scatter [tilespmem:s24], [sflag:$0x1], $0x80, v4, vm1, $0xb8;
	[tilespmem:$0x6100] =	vst v63  }
0x59: {  	_ = 	snop  }
0x5a: {  	[hbm4b:s3+s2] =	stream.indirect_vreg.scatter [tilespmem:s25], [sflag:$0x1], $0x80, v3, vm0, $0xb8;
	[tilespmem:$0x6100] =	vst v63  }
0x5b: {  	_ = 	snop  }
0x5c: {  	[hbm4b:s7+s2] =	stream.indirect_vreg.scatter [tilespmem:s26], [sflag:$0x1], $0x80, v3, vm1, $0xb8;
	[tilespmem:$0x6100] =	vst v63  }
0x5d: {  	v3 =	vld [tilespmem:$0x80];
	_ =	sdelay $0x4  }
0x5e: {  	v60 =	vshrl.u32 v3, $0x3  }
0x5f: {  	v4 =	vmul.u32 $0x18, v60  }
0x60: {  	v3 =	vand.u32 $0x7, v3  }
0x61: {  	v3 =	vor.u32 v3, v4  }
0x62: {  	v4 =	vperm.xlane v3, v0;
	_ =	sdelay $0x1  }
0x63: {  	v4 =	vadd.s32 v1, v4;
	_ =	sdelay $0x1  }
0x64: {  	v3 =	vperm.xlane v3, v2;
	_ =	sdelay $0x1  }
0x65: {  	v3 =	vadd.s32 v1, v3  }
0x66: {  	[hbm4b:s3+s2] =	stream.indirect_vreg.scatter [tilespmem:s11], [sflag:$0x2], $0x80, v4, vm0, $0xb8;
	[tilespmem:$0x6100] =	vst v63  }
0x67: {  	_ = 	snop  }
0x68: {  	[hbm4b:s7+s2] =	stream.indirect_vreg.scatter [tilespmem:s12], [sflag:$0x2], $0x80, v4, vm1, $0xb8;
	[tilespmem:$0x6100] =	vst v63  }
0x69: {  	_ = 	snop  }
0x6a: {  	[hbm4b:s3+s2] =	stream.indirect_vreg.scatter [tilespmem:s13], [sflag:$0x2], $0x80, v3, vm0, $0xb8;
	[tilespmem:$0x6100] =	vst v63  }
0x6b: {  	_ = 	snop  }
0x6c: {  	[hbm4b:s7+s2] =	stream.indirect_vreg.scatter [tilespmem:s14], [sflag:$0x2], $0x80, v3, vm1, $0xb8;
	[tilespmem:$0x6100] =	vst v63  }
0x6d: {  	v3 =	vld [tilespmem:$0x90];
	_ =	sdelay $0x4  }
0x6e: {  	v61 =	vshrl.u32 v3, $0x3  }
0x6f: {  	v4 =	vmul.u32 $0x18, v61  }
0x70: {  	v3 =	vand.u32 $0x7, v3  }
0x71: {  	v3 =	vor.u32 v3, v4  }
0x72: {  	v4 =	vperm.xlane v3, v0;
	_ =	sdelay $0x1  }
0x73: {  	v4 =	vadd.s32 v1, v4;
	_ =	sdelay $0x1  }
0x74: {  	v3 =	vperm.xlane v3, v2;
	_ =	sdelay $0x1  }
0x75: {  	v3 =	vadd.s32 v1, v3  }
0x76: {  	[hbm4b:s3+s2] =	stream.indirect_vreg.scatter [tilespmem:s15], [sflag:$0x2], $0x80, v4, vm0, $0xb8;
	[tilespmem:$0x6100] =	vst v63  }
0x77: {  	_ = 	snop  }
0x78: {  	[hbm4b:s7+s2] =	stream.indirect_vreg.scatter [tilespmem:s16], [sflag:$0x2], $0x80, v4, vm1, $0xb8;
	[tilespmem:$0x6100] =	vst v63  }
0x79: {  	_ = 	snop  }
0x7a: {  	[hbm4b:s3+s2] =	stream.indirect_vreg.scatter [tilespmem:s17], [sflag:$0x2], $0x80, v3, vm0, $0xb8;
	[tilespmem:$0x6100] =	vst v63  }
0x7b: {  	_ = 	snop  }
0x7c: {  	[hbm4b:s7+s2] =	stream.indirect_vreg.scatter [tilespmem:s18], [sflag:$0x2], $0x80, v3, vm1, $0xb8;
	[tilespmem:$0x6100] =	vst v63  }
0x7d: {  	v3 =	vld [tilespmem:$0xA0];
	_ =	sdelay $0x4  }
0x7e: {  	v62 =	vshrl.u32 v3, $0x3  }
0x7f: {  	v4 =	vmul.u32 $0x18, v62  }
0x80: {  	v3 =	vand.u32 $0x7, v3  }
0x81: {  	v3 =	vor.u32 v3, v4  }
0x82: {  	v4 =	vperm.xlane v3, v0;
	_ =	sdelay $0x1  }
0x83: {  	v4 =	vadd.s32 v1, v4;
	_ =	sdelay $0x1  }
0x84: {  	v3 =	vperm.xlane v3, v2;
	_ =	sdelay $0x1  }
0x85: {  	v3 =	vadd.s32 v1, v3  }
0x86: {  	[hbm4b:s3+s2] =	stream.indirect_vreg.scatter [tilespmem:s19], [sflag:$0x2], $0x80, v4, vm0, $0xb8;
	[tilespmem:$0x6100] =	vst v63  }
0x87: {  	_ = 	snop  }
0x88: {  	[hbm4b:s7+s2] =	stream.indirect_vreg.scatter [tilespmem:s20], [sflag:$0x2], $0x80, v4, vm1, $0xb8;
	[tilespmem:$0x6100] =	vst v63  }
0x89: {  	_ = 	snop  }
0x8a: {  	[hbm4b:s3+s2] =	stream.indirect_vreg.scatter [tilespmem:s21], [sflag:$0x2], $0x80, v3, vm0, $0xb8;
	[tilespmem:$0x6100] =	vst v63  }
0x8b: {  	_ = 	snop  }
0x8c: {  	[hbm4b:s7+s2] =	stream.indirect_vreg.scatter [tilespmem:s22], [sflag:$0x2], $0x80, v3, vm1, $0xb8;
	[tilespmem:$0x6100] =	vst v63  }
0x8d: {  	v3 =	vld [tilespmem:$0xB0];
	_ =	sdelay $0x4  }
0x8e: {  	v63 =	vshrl.u32 v3, $0x3  }
0x8f: {  	v4 =	vmul.u32 $0x18, v63  }
0x90: {  	v3 =	vand.u32 $0x7, v3  }
0x91: {  	v3 =	vor.u32 v3, v4  }
0x92: {  	v4 =	vperm.xlane v3, v0;
	_ =	sdelay $0x1  }
0x93: {  	v4 =	vadd.s32 v1, v4;
	_ =	sdelay $0x1  }
0x94: {  	v3 =	vperm.xlane v3, v2;
	_ =	sdelay $0x1  }
0x95: {  	v3 =	vadd.s32 v1, v3  }
0x96: {  	[hbm4b:s3+s2] =	stream.indirect_vreg.scatter [tilespmem:s23], [sflag:$0x2], $0x80, v4, vm0, $0xb8;
	[tilespmem:$0x6100] =	vst v63  }
0x97: {  	_ = 	snop  }
0x98: {  	[hbm4b:s7+s2] =	stream.indirect_vreg.scatter [tilespmem:s24], [sflag:$0x2], $0x80, v4, vm1, $0xb8;
	[tilespmem:$0x6100] =	vst v63  }
0x99: {  	_ = 	snop  }
0x9a: {  	[hbm4b:s3+s2] =	stream.indirect_vreg.scatter [tilespmem:s25], [sflag:$0x2], $0x80, v3, vm0, $0xb8;
	[tilespmem:$0x6100] =	vst v63  }
0x9b: {  	_ = 	snop  }
0x9c: {  	[hbm4b:s7+s2] =	stream.indirect_vreg.scatter [tilespmem:s26], [sflag:$0x2], $0x80, v3, vm1, $0xb8;
	[tilespmem:$0x6100] =	vst v63  }
0x9d: {  	p0 =	sne.s32 s8, $0x1;
	_ =	swait.ge [sflag:s28], $0x6000  }
.Ltmp0:
0x9e: {  	[sflag:s28] =	ssyncset.done $0x0;
	(pc) =	sbr.rel @p0 .LBB2_1-.Ltmp0, $4  }
0x9f: {  	[sflag:s28] =	ssyncadd.s32 $0xFFFFA000  }
0xa0: {  	_ =	swait.ge [sflag:s29], $0x6000  }
0xa1: {  	[sflag:s29] =	ssyncset.done $0x0  }
0xa2: {  	s8 =	sadd.s32 $0xFFFFFFFF, s8;
	[sflag:s29] =	ssyncadd.s32 $0xFFFFA000  }
0xa3: {  	_ =	sfence.sel $0x180000  }
0xa4: {  	[bflag:$0x0] =	sbarrier.arrive $0xFFFF  }
0xa5: {  	p0 =	sne.s32 s1, $0x0;
	_ =	strace $0x90000047  }
0xa6: {  	s0 =	sadd.s32 @!p0 $0x100000, s0;
	[bflag:$0x2] =	sbarrier.arrive $0xFFFF  }
0xa7: {  	[sflag:s0] =	ssyncadd.tile.s32 @!p0 $0x1;
	_ =	shalt  }
.Lfunc_end2:
_tile_overlayer_lowered:
.L_overlay_start_2:
0xa8: {  	(tag) =	ssettag $0x2  }
0xa9: {  	s0 =	rddreg [dreg:$0x0];
	s2 =	stileid.u32  }
0xaa: {  	s1 =	rddreg [dreg:$0x1];
	p0 =	sne.s32 s2, $0x0  }
0xab: {  	s3 =	rddreg [dreg:$0x2];
	[bflag:$0x3] =	sbarrier.arrive $0xFFFF;
	s2 =	simm.s32 @!p0 $0x1C03  }
0xac: {  	[timem:s3], [sflag:s2] =	dma.local @!p0 [hbm:s0], s1  }
0xad: {  	s0 =	simm.s32 @!p0 $0x3  }
0xae: {  	_ =	swait.ge @!p0 [sflag:s0], s1  }
0xaf: {  	s1 =	ssub.s32 @!p0 $0x0, s1;
	[sflag:s0] =	ssyncset.done @!p0 $0x0  }
0xb0: {  	[sflag:s0] =	ssyncadd.s32 @!p0 s1  }
0xb1: {  	[bflag:$0x3] =	sbarrier.arrive $0xFFFF  }
0xb2: {  	_ =	shalt  }

</sc_bundles>
